<compile_context>
chip_gen: v7x
topology: tpu7x:2x2x1
jax: 0.10.2.dev20260603
libtpu: 0.0.44.dev20260713+nightly
codegen_flags: <defaults>
</compile_context>

<pallas_src>
import functools

import jax
import jax.numpy as jnp
from jax import lax
from jax.experimental import pallas as pl
from jax.experimental.pallas import tpu as pltpu
from jax.experimental.pallas import tpu_sc as plsc

_NW = 32
_CHUNK = 128


_DEPTH = 6
_AHEAD = 4


def _gather_body(nreal, cpw, idx_hbm, data_hbm, out_hbm, idx_v, *ring):
    wid = lax.axis_index("s") * 2 + lax.axis_index("c")
    base = wid * cpw
    pltpu.sync_copy(idx_hbm.at[wid], idx_v)

    rows = ring[:_DEPTH]
    gsem = ring[_DEPTH:2 * _DEPTH]
    wsem = ring[2 * _DEPTH:]

    def fire_gather(j, slot):
        pltpu.make_async_copy(
            data_hbm.at[idx_v.at[j]], rows[slot], gsem[slot]
        ).start()

    def wait_gather(j, slot):
        pltpu.make_async_copy(
            data_hbm.at[idx_v.at[j]], rows[slot], gsem[slot]
        ).wait()

    def fire_write(c, slot):
        pltpu.make_async_copy(
            rows[slot], out_hbm.at[pl.ds(c * _CHUNK, _CHUNK)], wsem[slot]
        ).start()

    def wait_write(slot):
        pltpu.make_async_copy(
            rows[slot], out_hbm.at[pl.ds(0, _CHUNK)], wsem[slot]
        ).wait()

    for jj in range(_AHEAD):
        @pl.when(base + jj < nreal)
        def _(jj=jj):
            fire_gather(jj, jj)

    def body(i, carry):
        for t in range(_DEPTH):
            j = _DEPTH * i + t
            c = base + j
            aslot = (t + _AHEAD) % _DEPTH
            @pl.when(jnp.logical_and(j + _AHEAD >= _DEPTH,
                                     c + _AHEAD - _DEPTH < nreal))
            def _():
                wait_write(aslot)

            @pl.when(jnp.logical_and(j + _AHEAD < cpw,
                                     c + _AHEAD < nreal))
            def _():
                fire_gather(j + _AHEAD, aslot)

            @pl.when(c < nreal)
            def _():
                wait_gather(j, t)
                fire_write(c, t)
        return carry

    lax.fori_loop(0, cpw // _DEPTH, body, 0)

    for jj in range(cpw - (_DEPTH - _AHEAD), cpw):
        @pl.when(base + jj < nreal)
        def _(jj=jj):
            wait_write(jj % _DEPTH)


def _sc_gather(idx, data, nreal, cpw):
    cin = data.shape[1]
    mesh = plsc.VectorSubcoreMesh(
        core_axis_name="c", subcore_axis_name="s", num_cores=2, num_subcores=16
    )
    body = functools.partial(_gather_body, nreal, cpw)
    return pl.kernel(
        body,
        out_type=jax.ShapeDtypeStruct((nreal * _CHUNK, cin), data.dtype),
        mesh=mesh,
        scratch_types=(
            [pltpu.VMEM((cpw, _CHUNK), jnp.int32)]
            + [pltpu.VMEM((_CHUNK, cin), data.dtype)] * _DEPTH
            + [pltpu.SemaphoreType.DMA] * (2 * _DEPTH)
        ),
    )(idx, data)


def _mm_body(nk, g_ref, w_ref, o_ref):
    acc = jnp.zeros(o_ref.shape, jnp.float32)
    for k in range(nk):
        acc += jnp.dot(
            g_ref[k].astype(jnp.bfloat16), w_ref[k],
            preferred_element_type=jnp.float32,
        )
    o_ref[...] = acc


def _tc_matmul(g3, wt, n_out, bm):
    nk, _, cin = g3.shape
    cout = wt.shape[2]
    return pl.pallas_call(
        functools.partial(_mm_body, nk),
        grid=(n_out // bm,),
        in_specs=[
            pl.BlockSpec((nk, bm, cin), lambda m: (0, m, 0)),
            pl.BlockSpec((nk, cin, cout), lambda m: (0, 0, 0)),
        ],
        out_specs=pl.BlockSpec((bm, cout), lambda m: (m, 0)),
        out_shape=jax.ShapeDtypeStruct((n_out, cout), jnp.float32),
        compiler_params=pltpu.CompilerParams(
            dimension_semantics=("arbitrary",),
        ),
    )(g3, wt)


_REP = 8


def _conv_piece(nbr_piece, data_rep, n_orig, wt, bm):
    npiece, kd = nbr_piece.shape
    cin = data_rep.shape[1]

    npad = ((npiece + _CHUNK - 1) // _CHUNK) * _CHUNK
    nchunk = kd * npad // _CHUNK
    cpw = (nchunk + _NW - 1) // _NW
    cpw = ((cpw + _DEPTH - 1) // _DEPTH) * _DEPTH

    idx = jnp.pad(nbr_piece, ((0, npad - npiece), (0, 0))).T
    idx = idx.reshape(nchunk, _CHUNK)
    idx = jnp.pad(idx, ((0, _NW * cpw - nchunk), (0, 0)))
    idx = idx.reshape(_NW, cpw, _CHUNK)

    off = (jnp.arange(_NW, dtype=jnp.int32) % _REP) * n_orig
    idx = idx + off.reshape(_NW, 1, 1)

    gathered = _sc_gather(idx, data_rep, nchunk, cpw)
    g3 = gathered.reshape(kd, npad, cin)
    return _tc_matmul(g3, wt, npiece, bm)


def kernel(data, neighbour, inv_neighbour, weights):
    n, cin = data.shape
    nbr = neighbour.astype(jnp.int32)
    wt = jnp.transpose(weights, (1, 2, 0)).astype(jnp.bfloat16)
    data_rep = jnp.broadcast_to(data, (_REP, n, cin)).reshape(_REP * n, cin)

    return _conv_piece(nbr, data_rep, n, wt, 400)

# --- scband reference (transcript-rebuilt; emitter-appended) ---
"""Pipeline reference for scband-octree-conv-triton-33844342292892 (READ-ONLY COPY).

The authoritative reference and input builder live on the scoring server;
editing this copy changes nothing except your own understanding.
"""

import jax, jax.numpy as jnp
import numpy as np

N = 10000
CIN = 128
COUT = 128
KDIM = 27


def setup_inputs(seed: int = 0) -> dict:
    key = jax.random.key(seed)
    k1, k2, k3, k4 = jax.random.split(key, 4)
    data = jax.random.normal(k1, (N, CIN), dtype=jnp.float32)
    neighbour = jax.random.randint(k2, (N, KDIM), 0, N, dtype=jnp.int64)
    inv_neighbour = jax.random.randint(k3, (N, KDIM), 0, N, dtype=jnp.int64)
    # learned parameter: weights of shape (out_channels, kdim, in_channels)
    weights = jax.random.normal(k4, (COUT, KDIM, CIN), dtype=jnp.float32) * 0.05
    return {"data": data, "neighbour": neighbour, "inv_neighbour": inv_neighbour, "weights": weights}


def reference(data, neighbour, inv_neighbour, weights):
    # flex_gemm_forward_implicit: implicit-GEMM octree convolution.
    # Gather neighbourhood features for each output voxel, then contract with
    # the (out_channels, kdim, in_channels) kernel.
    gathered = jnp.take(data, neighbour, axis=0)  # [N, kdim, Cin]
    out = jnp.einsum('nkc,okc->no', gathered, weights)  # [N, Cout]
    # stride=1, use_bias=False, nempty=False -> no bias add, no octree_pad
    return out

if __name__ == "__main__":
    import jax
    _d = setup_inputs()
    print(jax.jit(kernel)(*tuple(_d.values())))

</pallas_src>

<mosaic_0001>
#map = affine_map<(d0, d1) -> (0, 0, 0)>
#map1 = affine_map<(d0, d1) -> (0, 0)>
module attributes {stable_mosaic.version = 14 : i64} {
  func.func @_gather_body(%arg0: i32, %arg1: i32, %arg2: memref<32x72x128xi32, #tpu.memory_space<hbm>>, %arg3: memref<80000x128xf32, #tpu.memory_space<hbm>>, %arg4: memref<273024x128xf32, #tpu.memory_space<hbm>>, %arg5: memref<72x128xi32, #tpu.memory_space<vmem>>, %arg6: memref<128x128xf32, #tpu.memory_space<vmem>>, %arg7: memref<128x128xf32, #tpu.memory_space<vmem>>, %arg8: memref<128x128xf32, #tpu.memory_space<vmem>>, %arg9: memref<128x128xf32, #tpu.memory_space<vmem>>, %arg10: memref<128x128xf32, #tpu.memory_space<vmem>>, %arg11: memref<128x128xf32, #tpu.memory_space<vmem>>, %arg12: memref<!tpu.dma_semaphore, #tpu.memory_space<semaphore_mem>>, %arg13: memref<!tpu.dma_semaphore, #tpu.memory_space<semaphore_mem>>, %arg14: memref<!tpu.dma_semaphore, #tpu.memory_space<semaphore_mem>>, %arg15: memref<!tpu.dma_semaphore, #tpu.memory_space<semaphore_mem>>, %arg16: memref<!tpu.dma_semaphore, #tpu.memory_space<semaphore_mem>>, %arg17: memref<!tpu.dma_semaphore, #tpu.memory_space<semaphore_mem>>, %arg18: memref<!tpu.dma_semaphore, #tpu.memory_space<semaphore_mem>>, %arg19: memref<!tpu.dma_semaphore, #tpu.memory_space<semaphore_mem>>, %arg20: memref<!tpu.dma_semaphore, #tpu.memory_space<semaphore_mem>>, %arg21: memref<!tpu.dma_semaphore, #tpu.memory_space<semaphore_mem>>, %arg22: memref<!tpu.dma_semaphore, #tpu.memory_space<semaphore_mem>>, %arg23: memref<!tpu.dma_semaphore, #tpu.memory_space<semaphore_mem>>) attributes {dimension_semantics = [#tpu.dimension_semantics<core_parallel>, #tpu.dimension_semantics<subcore_parallel>], iteration_bounds = array<i64: 2, 16>, scalar_prefetch = 0 : i64, scratch_operands = 19 : i64, tpu.core_type = #tpu.core_type<sc_vector_subcore>, window_params = [{transform_indices = #map}, {transform_indices = #map1}, {transform_indices = #map1}]} {
    %mul3A = arith.constant 2 : i32
    %mul3A_0 = arith.muli %arg1, %mul3A : i32
    %add3A = arith.addi %mul3A_0, %arg0 : i32
    %mul3A_1 = arith.constant 72 : i32
    %mul3A_2 = arith.muli %add3A, %mul3A_1 : i32
    "tpu.region"() ({
      %run_scoped3A = tpu.sem_alloc : memref<!tpu.dma_semaphore, #tpu.memory_space<semaphore_mem>>
      %dma_start3A = arith.constant 0 : i32
      %dma_start3A_47 = arith.constant 0 : i32
      %dma_start3A_48 = tpu.memref_slice %arg2[%add3A, %dma_start3A, %dma_start3A_47] : memref<32x72x128xi32, #tpu.memory_space<hbm>> -> memref<1x72x128xi32, #tpu.memory_space<hbm>>
      %dma_start3A_49 = tpu.memref_squeeze %dma_start3A_48 : memref<1x72x128xi32, #tpu.memory_space<hbm>> -> memref<72x128xi32, #tpu.memory_space<hbm>>
      %dma_start3A_50 = arith.constant 0 : i32
      %dma_start3A_51 = arith.constant 0 : i32
      %dma_start3A_52 = tpu.memref_slice %arg2[%add3A, %dma_start3A_50, %dma_start3A_51] : memref<32x72x128xi32, #tpu.memory_space<hbm>> -> memref<1x72x128xi32, #tpu.memory_space<hbm>>
      %dma_start3A_53 = tpu.memref_squeeze %dma_start3A_52 : memref<1x72x128xi32, #tpu.memory_space<hbm>> -> memref<72x128xi32, #tpu.memory_space<hbm>>
      tpu.enqueue_dma source(%dma_start3A_53 : memref<72x128xi32, #tpu.memory_space<hbm>>) target(%arg5 : memref<72x128xi32, #tpu.memory_space<vmem>>) target_semaphore(%run_scoped3A : memref<!tpu.dma_semaphore, #tpu.memory_space<semaphore_mem>>)
      %dma_wait3A = arith.constant 0 : i32
      %dma_wait3A_54 = arith.constant 0 : i32
      %dma_wait3A_55 = tpu.memref_slice %arg2[%add3A, %dma_wait3A, %dma_wait3A_54] : memref<32x72x128xi32, #tpu.memory_space<hbm>> -> memref<1x72x128xi32, #tpu.memory_space<hbm>>
      %dma_wait3A_56 = tpu.memref_squeeze %dma_wait3A_55 : memref<1x72x128xi32, #tpu.memory_space<hbm>> -> memref<72x128xi32, #tpu.memory_space<hbm>>
      %dma_wait3A_57 = arith.constant 0 : i32
      %dma_wait3A_58 = arith.constant 0 : i32
      %dma_wait3A_59 = tpu.memref_slice %arg2[%add3A, %dma_wait3A_57, %dma_wait3A_58] : memref<32x72x128xi32, #tpu.memory_space<hbm>> -> memref<1x72x128xi32, #tpu.memory_space<hbm>>
      %dma_wait3A_60 = tpu.memref_squeeze %dma_wait3A_59 : memref<1x72x128xi32, #tpu.memory_space<hbm>> -> memref<72x128xi32, #tpu.memory_space<hbm>>
      tpu.wait_dma2 semaphore(%run_scoped3A : memref<!tpu.dma_semaphore, #tpu.memory_space<semaphore_mem>>) src(%dma_wait3A_60 : memref<72x128xi32, #tpu.memory_space<hbm>>) dst(%arg5 : memref<72x128xi32, #tpu.memory_space<vmem>>)
      tpu.yield
    }) : () -> ()
    %add3A_3 = arith.constant 0 : i32
    %add3A_4 = arith.addi %mul3A_2, %add3A_3 : i32
    %lt3A = arith.constant 2133 : i32
    %lt3A_5 = arith.cmpi slt, %add3A_4, %lt3A : i32
    %convert_element_type3A = arith.extui %lt3A_5 : i1 to i32
    %cond3A = arith.constant 0 : i32
    %cond3A_6 = arith.cmpi ne, %convert_element_type3A, %cond3A : i32
    scf.if %cond3A_6 {
      %dma_start3A = arith.constant 0 : i32
      %dma_start3A_47 = arith.constant 0 : i32
      %dma_start3A_48 = tpu.memref_slice %arg5[%dma_start3A, %dma_start3A_47] : memref<72x128xi32, #tpu.memory_space<vmem>> -> memref<1x128xi32, #tpu.memory_space<vmem>>
      %dma_start3A_49 = tpu.memref_squeeze %dma_start3A_48 : memref<1x128xi32, #tpu.memory_space<vmem>> -> memref<128xi32, #tpu.memory_space<vmem>>
      %dma_start3A_50 = arith.constant 0 : i32
      %dma_start3A_51 = arith.constant 0 : i32
      %dma_start3A_52 = tpu.memref_slice %arg3[%dma_start3A_50, %dma_start3A_51] : memref<80000x128xf32, #tpu.memory_space<hbm>> -> memref<80000x128xf32, #tpu.memory_space<hbm>>
      tpu.enqueue_indirect_dma source(%dma_start3A_52 : memref<80000x128xf32, #tpu.memory_space<hbm>>) target(%arg6 : memref<128x128xf32, #tpu.memory_space<vmem>>) offsets(%dma_start3A_49 : memref<128xi32, #tpu.memory_space<vmem>>) semaphore(%arg12 : memref<!tpu.dma_semaphore, #tpu.memory_space<semaphore_mem>>)
    } else {
    }
    %add3A_7 = arith.constant 1 : i32
    %add3A_8 = arith.addi %mul3A_2, %add3A_7 : i32
    %lt3A_9 = arith.constant 2133 : i32
    %lt3A_10 = arith.cmpi slt, %add3A_8, %lt3A_9 : i32
    %convert_element_type3A_11 = arith.extui %lt3A_10 : i1 to i32
    %cond3A_12 = arith.constant 0 : i32
    %cond3A_13 = arith.cmpi ne, %convert_element_type3A_11, %cond3A_12 : i32
    scf.if %cond3A_13 {
      %dma_start3A = arith.constant 1 : i32
      %dma_start3A_47 = arith.constant 0 : i32
      %dma_start3A_48 = tpu.memref_slice %arg5[%dma_start3A, %dma_start3A_47] : memref<72x128xi32, #tpu.memory_space<vmem>> -> memref<1x128xi32, #tpu.memory_space<vmem>>
      %dma_start3A_49 = tpu.memref_squeeze %dma_start3A_48 : memref<1x128xi32, #tpu.memory_space<vmem>> -> memref<128xi32, #tpu.memory_space<vmem>>
      %dma_start3A_50 = arith.constant 0 : i32
      %dma_start3A_51 = arith.constant 0 : i32
      %dma_start3A_52 = tpu.memref_slice %arg3[%dma_start3A_50, %dma_start3A_51] : memref<80000x128xf32, #tpu.memory_space<hbm>> -> memref<80000x128xf32, #tpu.memory_space<hbm>>
      tpu.enqueue_indirect_dma source(%dma_start3A_52 : memref<80000x128xf32, #tpu.memory_space<hbm>>) target(%arg7 : memref<128x128xf32, #tpu.memory_space<vmem>>) offsets(%dma_start3A_49 : memref<128xi32, #tpu.memory_space<vmem>>) semaphore(%arg13 : memref<!tpu.dma_semaphore, #tpu.memory_space<semaphore_mem>>)
    } else {
    }
    %add3A_14 = arith.constant 2 : i32
    %add3A_15 = arith.addi %mul3A_2, %add3A_14 : i32
    %lt3A_16 = arith.constant 2133 : i32
    %lt3A_17 = arith.cmpi slt, %add3A_15, %lt3A_16 : i32
    %convert_element_type3A_18 = arith.extui %lt3A_17 : i1 to i32
    %cond3A_19 = arith.constant 0 : i32
    %cond3A_20 = arith.cmpi ne, %convert_element_type3A_18, %cond3A_19 : i32
    scf.if %cond3A_20 {
      %dma_start3A = arith.constant 2 : i32
      %dma_start3A_47 = arith.constant 0 : i32
      %dma_start3A_48 = tpu.memref_slice %arg5[%dma_start3A, %dma_start3A_47] : memref<72x128xi32, #tpu.memory_space<vmem>> -> memref<1x128xi32, #tpu.memory_space<vmem>>
      %dma_start3A_49 = tpu.memref_squeeze %dma_start3A_48 : memref<1x128xi32, #tpu.memory_space<vmem>> -> memref<128xi32, #tpu.memory_space<vmem>>
      %dma_start3A_50 = arith.constant 0 : i32
      %dma_start3A_51 = arith.constant 0 : i32
      %dma_start3A_52 = tpu.memref_slice %arg3[%dma_start3A_50, %dma_start3A_51] : memref<80000x128xf32, #tpu.memory_space<hbm>> -> memref<80000x128xf32, #tpu.memory_space<hbm>>
      tpu.enqueue_indirect_dma source(%dma_start3A_52 : memref<80000x128xf32, #tpu.memory_space<hbm>>) target(%arg8 : memref<128x128xf32, #tpu.memory_space<vmem>>) offsets(%dma_start3A_49 : memref<128xi32, #tpu.memory_space<vmem>>) semaphore(%arg14 : memref<!tpu.dma_semaphore, #tpu.memory_space<semaphore_mem>>)
    } else {
    }
    %add3A_21 = arith.constant 3 : i32
    %add3A_22 = arith.addi %mul3A_2, %add3A_21 : i32
    %lt3A_23 = arith.constant 2133 : i32
    %lt3A_24 = arith.cmpi slt, %add3A_22, %lt3A_23 : i32
    %convert_element_type3A_25 = arith.extui %lt3A_24 : i1 to i32
    %cond3A_26 = arith.constant 0 : i32
    %cond3A_27 = arith.cmpi ne, %convert_element_type3A_25, %cond3A_26 : i32
    scf.if %cond3A_27 {
      %dma_start3A = arith.constant 3 : i32
      %dma_start3A_47 = arith.constant 0 : i32
      %dma_start3A_48 = tpu.memref_slice %arg5[%dma_start3A, %dma_start3A_47] : memref<72x128xi32, #tpu.memory_space<vmem>> -> memref<1x128xi32, #tpu.memory_space<vmem>>
      %dma_start3A_49 = tpu.memref_squeeze %dma_start3A_48 : memref<1x128xi32, #tpu.memory_space<vmem>> -> memref<128xi32, #tpu.memory_space<vmem>>
      %dma_start3A_50 = arith.constant 0 : i32
      %dma_start3A_51 = arith.constant 0 : i32
      %dma_start3A_52 = tpu.memref_slice %arg3[%dma_start3A_50, %dma_start3A_51] : memref<80000x128xf32, #tpu.memory_space<hbm>> -> memref<80000x128xf32, #tpu.memory_space<hbm>>
      tpu.enqueue_indirect_dma source(%dma_start3A_52 : memref<80000x128xf32, #tpu.memory_space<hbm>>) target(%arg9 : memref<128x128xf32, #tpu.memory_space<vmem>>) offsets(%dma_start3A_49 : memref<128xi32, #tpu.memory_space<vmem>>) semaphore(%arg15 : memref<!tpu.dma_semaphore, #tpu.memory_space<semaphore_mem>>)
    } else {
    }
    %scan3A = arith.constant 0 : i32
    %scan3A_28 = arith.constant 0 : i32
    %scan3A_29 = arith.constant 12 : i32
    %scan3A_30 = arith.addi %scan3A_28, %scan3A_29 : i32
    %scan3A_31 = arith.constant 1 : i32
    scf.for %scan3A_47 = %scan3A_28 to %scan3A_30 step %scan3A_31  : i32 {
      %mul3A_48 = arith.constant 6 : i32
      %mul3A_49 = arith.muli %mul3A_48, %scan3A_47 : i32
      %add3A_50 = arith.constant 0 : i32
      %add3A_51 = arith.addi %mul3A_49, %add3A_50 : i32
      %add3A_52 = arith.addi %mul3A_2, %add3A_51 : i32
      %add3A_53 = arith.constant 4 : i32
      %add3A_54 = arith.addi %add3A_51, %add3A_53 : i32
      %ge3A = arith.constant 6 : i32
      %ge3A_55 = arith.cmpi sge, %add3A_54, %ge3A : i32
      %add3A_56 = arith.constant 4 : i32
      %add3A_57 = arith.addi %add3A_52, %add3A_56 : i32
      %sub3A = arith.constant 6 : i32
      %sub3A_58 = arith.subi %add3A_57, %sub3A : i32
      %lt3A_59 = arith.constant 2133 : i32
      %lt3A_60 = arith.cmpi slt, %sub3A_58, %lt3A_59 : i32
      %and3A = arith.andi %ge3A_55, %lt3A_60 : i1
      %convert_element_type3A_61 = arith.extui %and3A : i1 to i32
      %cond3A_62 = arith.constant 0 : i32
      %cond3A_63 = arith.cmpi ne, %convert_element_type3A_61, %cond3A_62 : i32
      scf.if %cond3A_63 {
        %dma_wait3A = arith.constant 0 : i32
        %dma_wait3A_261 = arith.constant 0 : i32
        %dma_wait3A_262 = tpu.memref_slice %arg4[%dma_wait3A, %dma_wait3A_261] : memref<273024x128xf32, #tpu.memory_space<hbm>> -> memref<128x128xf32, #tpu.memory_space<hbm>>
        %dma_wait3A_263 = arith.constant 0 : i32
        %dma_wait3A_264 = arith.constant 0 : i32
        %dma_wait3A_265 = tpu.memref_slice %arg4[%dma_wait3A_263, %dma_wait3A_264] : memref<273024x128xf32, #tpu.memory_space<hbm>> -> memref<128x128xf32, #tpu.memory_space<hbm>>
        tpu.wait_dma2 semaphore(%arg22 : memref<!tpu.dma_semaphore, #tpu.memory_space<semaphore_mem>>) src(%arg10 : memref<128x128xf32, #tpu.memory_space<vmem>>) dst(%dma_wait3A_265 : memref<128x128xf32, #tpu.memory_space<hbm>>)
      } else {
      }
      %add3A_64 = arith.constant 4 : i32
      %add3A_65 = arith.addi %add3A_51, %add3A_64 : i32
      %lt3A_66 = arith.constant 72 : i32
      %lt3A_67 = arith.cmpi slt, %add3A_65, %lt3A_66 : i32
      %add3A_68 = arith.constant 4 : i32
      %add3A_69 = arith.addi %add3A_52, %add3A_68 : i32
      %lt3A_70 = arith.constant 2133 : i32
      %lt3A_71 = arith.cmpi slt, %add3A_69, %lt3A_70 : i32
      %and3A_72 = arith.andi %lt3A_67, %lt3A_71 : i1
      %convert_element_type3A_73 = arith.extui %and3A_72 : i1 to i32
      %cond3A_74 = arith.constant 0 : i32
      %cond3A_75 = arith.cmpi ne, %convert_element_type3A_73, %cond3A_74 : i32
      scf.if %cond3A_75 {
        %add3A_261 = arith.constant 4 : i32
        %add3A_262 = arith.addi %add3A_51, %add3A_261 : i32
        %dma_start3A = arith.constant 0 : i32
        %dma_start3A_263 = tpu.memref_slice %arg5[%add3A_262, %dma_start3A] : memref<72x128xi32, #tpu.memory_space<vmem>> -> memref<1x128xi32, #tpu.memory_space<vmem>>
        %dma_start3A_264 = tpu.memref_squeeze %dma_start3A_263 : memref<1x128xi32, #tpu.memory_space<vmem>> -> memref<128xi32, #tpu.memory_space<vmem>>
        %dma_start3A_265 = arith.constant 0 : i32
        %dma_start3A_266 = arith.constant 0 : i32
        %dma_start3A_267 = tpu.memref_slice %arg3[%dma_start3A_265, %dma_start3A_266] : memref<80000x128xf32, #tpu.memory_space<hbm>> -> memref<80000x128xf32, #tpu.memory_space<hbm>>
        tpu.enqueue_indirect_dma source(%dma_start3A_267 : memref<80000x128xf32, #tpu.memory_space<hbm>>) target(%arg10 : memref<128x128xf32, #tpu.memory_space<vmem>>) offsets(%dma_start3A_264 : memref<128xi32, #tpu.memory_space<vmem>>) semaphore(%arg16 : memref<!tpu.dma_semaphore, #tpu.memory_space<semaphore_mem>>)
      } else {
      }
      %lt3A_76 = arith.constant 2133 : i32
      %lt3A_77 = arith.cmpi slt, %add3A_52, %lt3A_76 : i32
      %convert_element_type3A_78 = arith.extui %lt3A_77 : i1 to i32
      %cond3A_79 = arith.constant 0 : i32
      %cond3A_80 = arith.cmpi ne, %convert_element_type3A_78, %cond3A_79 : i32
      scf.if %cond3A_80 {
        %dma_wait3A = arith.constant 0 : i32
        %dma_wait3A_261 = tpu.memref_slice %arg5[%add3A_51, %dma_wait3A] : memref<72x128xi32, #tpu.memory_space<vmem>> -> memref<1x128xi32, #tpu.memory_space<vmem>>
        %dma_wait3A_262 = tpu.memref_squeeze %dma_wait3A_261 : memref<1x128xi32, #tpu.memory_space<vmem>> -> memref<128xi32, #tpu.memory_space<vmem>>
        %dma_wait3A_263 = arith.constant 0 : i32
        %dma_wait3A_264 = arith.constant 0 : i32
        %dma_wait3A_265 = tpu.memref_slice %arg3[%dma_wait3A_263, %dma_wait3A_264] : memref<80000x128xf32, #tpu.memory_space<hbm>> -> memref<80000x128xf32, #tpu.memory_space<hbm>>
        tpu.wait_indirect_dma semaphore(%arg12 : memref<!tpu.dma_semaphore, #tpu.memory_space<semaphore_mem>>) src(%dma_wait3A_265 : memref<80000x128xf32, #tpu.memory_space<hbm>>) dst(%arg6 : memref<128x128xf32, #tpu.memory_space<vmem>>)
        %mul3A_266 = arith.constant 128 : i32
        %mul3A_267 = arith.muli %add3A_52, %mul3A_266 : i32
        %dma_start3A = arith.constant 0 : i32
        %dma_start3A_268 = tpu.memref_slice %arg4[%mul3A_267, %dma_start3A] : memref<273024x128xf32, #tpu.memory_space<hbm>> -> memref<128x128xf32, #tpu.memory_space<hbm>>
        %dma_start3A_269 = arith.constant 0 : i32
        %dma_start3A_270 = tpu.memref_slice %arg4[%mul3A_267, %dma_start3A_269] : memref<273024x128xf32, #tpu.memory_space<hbm>> -> memref<128x128xf32, #tpu.memory_space<hbm>>
        tpu.enqueue_dma source(%arg6 : memref<128x128xf32, #tpu.memory_space<vmem>>) target(%dma_start3A_270 : memref<128x128xf32, #tpu.memory_space<hbm>>) target_semaphore(%arg18 : memref<!tpu.dma_semaphore, #tpu.memory_space<semaphore_mem>>)
      } else {
      }
      %mul3A_81 = arith.constant 6 : i32
      %mul3A_82 = arith.muli %mul3A_81, %scan3A_47 : i32
      %add3A_83 = arith.constant 1 : i32
      %add3A_84 = arith.addi %mul3A_82, %add3A_83 : i32
      %add3A_85 = arith.addi %mul3A_2, %add3A_84 : i32
      %add3A_86 = arith.constant 4 : i32
      %add3A_87 = arith.addi %add3A_84, %add3A_86 : i32
      %ge3A_88 = arith.constant 6 : i32
      %ge3A_89 = arith.cmpi sge, %add3A_87, %ge3A_88 : i32
      %add3A_90 = arith.constant 4 : i32
      %add3A_91 = arith.addi %add3A_85, %add3A_90 : i32
      %sub3A_92 = arith.constant 6 : i32
      %sub3A_93 = arith.subi %add3A_91, %sub3A_92 : i32
      %lt3A_94 = arith.constant 2133 : i32
      %lt3A_95 = arith.cmpi slt, %sub3A_93, %lt3A_94 : i32
      %and3A_96 = arith.andi %ge3A_89, %lt3A_95 : i1
      %convert_element_type3A_97 = arith.extui %and3A_96 : i1 to i32
      %cond3A_98 = arith.constant 0 : i32
      %cond3A_99 = arith.cmpi ne, %convert_element_type3A_97, %cond3A_98 : i32
      scf.if %cond3A_99 {
        %dma_wait3A = arith.constant 0 : i32
        %dma_wait3A_261 = arith.constant 0 : i32
        %dma_wait3A_262 = tpu.memref_slice %arg4[%dma_wait3A, %dma_wait3A_261] : memref<273024x128xf32, #tpu.memory_space<hbm>> -> memref<128x128xf32, #tpu.memory_space<hbm>>
        %dma_wait3A_263 = arith.constant 0 : i32
        %dma_wait3A_264 = arith.constant 0 : i32
        %dma_wait3A_265 = tpu.memref_slice %arg4[%dma_wait3A_263, %dma_wait3A_264] : memref<273024x128xf32, #tpu.memory_space<hbm>> -> memref<128x128xf32, #tpu.memory_space<hbm>>
        tpu.wait_dma2 semaphore(%arg23 : memref<!tpu.dma_semaphore, #tpu.memory_space<semaphore_mem>>) src(%arg11 : memref<128x128xf32, #tpu.memory_space<vmem>>) dst(%dma_wait3A_265 : memref<128x128xf32, #tpu.memory_space<hbm>>)
      } else {
      }
      %add3A_100 = arith.constant 4 : i32
      %add3A_101 = arith.addi %add3A_84, %add3A_100 : i32
      %lt3A_102 = arith.constant 72 : i32
      %lt3A_103 = arith.cmpi slt, %add3A_101, %lt3A_102 : i32
      %add3A_104 = arith.constant 4 : i32
      %add3A_105 = arith.addi %add3A_85, %add3A_104 : i32
      %lt3A_106 = arith.constant 2133 : i32
      %lt3A_107 = arith.cmpi slt, %add3A_105, %lt3A_106 : i32
      %and3A_108 = arith.andi %lt3A_103, %lt3A_107 : i1
      %convert_element_type3A_109 = arith.extui %and3A_108 : i1 to i32
      %cond3A_110 = arith.constant 0 : i32
      %cond3A_111 = arith.cmpi ne, %convert_element_type3A_109, %cond3A_110 : i32
      scf.if %cond3A_111 {
        %add3A_261 = arith.constant 4 : i32
        %add3A_262 = arith.addi %add3A_84, %add3A_261 : i32
        %dma_start3A = arith.constant 0 : i32
        %dma_start3A_263 = tpu.memref_slice %arg5[%add3A_262, %dma_start3A] : memref<72x128xi32, #tpu.memory_space<vmem>> -> memref<1x128xi32, #tpu.memory_space<vmem>>
        %dma_start3A_264 = tpu.memref_squeeze %dma_start3A_263 : memref<1x128xi32, #tpu.memory_space<vmem>> -> memref<128xi32, #tpu.memory_space<vmem>>
        %dma_start3A_265 = arith.constant 0 : i32
        %dma_start3A_266 = arith.constant 0 : i32
        %dma_start3A_267 = tpu.memref_slice %arg3[%dma_start3A_265, %dma_start3A_266] : memref<80000x128xf32, #tpu.memory_space<hbm>> -> memref<80000x128xf32, #tpu.memory_space<hbm>>
        tpu.enqueue_indirect_dma source(%dma_start3A_267 : memref<80000x128xf32, #tpu.memory_space<hbm>>) target(%arg11 : memref<128x128xf32, #tpu.memory_space<vmem>>) offsets(%dma_start3A_264 : memref<128xi32, #tpu.memory_space<vmem>>) semaphore(%arg17 : memref<!tpu.dma_semaphore, #tpu.memory_space<semaphore_mem>>)
      } else {
      }
      %lt3A_112 = arith.constant 2133 : i32
      %lt3A_113 = arith.cmpi slt, %add3A_85, %lt3A_112 : i32
      %convert_element_type3A_114 = arith.extui %lt3A_113 : i1 to i32
      %cond3A_115 = arith.constant 0 : i32
      %cond3A_116 = arith.cmpi ne, %convert_element_type3A_114, %cond3A_115 : i32
      scf.if %cond3A_116 {
        %dma_wait3A = arith.constant 0 : i32
        %dma_wait3A_261 = tpu.memref_slice %arg5[%add3A_84, %dma_wait3A] : memref<72x128xi32, #tpu.memory_space<vmem>> -> memref<1x128xi32, #tpu.memory_space<vmem>>
        %dma_wait3A_262 = tpu.memref_squeeze %dma_wait3A_261 : memref<1x128xi32, #tpu.memory_space<vmem>> -> memref<128xi32, #tpu.memory_space<vmem>>
        %dma_wait3A_263 = arith.constant 0 : i32
        %dma_wait3A_264 = arith.constant 0 : i32
        %dma_wait3A_265 = tpu.memref_slice %arg3[%dma_wait3A_263, %dma_wait3A_264] : memref<80000x128xf32, #tpu.memory_space<hbm>> -> memref<80000x128xf32, #tpu.memory_space<hbm>>
        tpu.wait_indirect_dma semaphore(%arg13 : memref<!tpu.dma_semaphore, #tpu.memory_space<semaphore_mem>>) src(%dma_wait3A_265 : memref<80000x128xf32, #tpu.memory_space<hbm>>) dst(%arg7 : memref<128x128xf32, #tpu.memory_space<vmem>>)
        %mul3A_266 = arith.constant 128 : i32
        %mul3A_267 = arith.muli %add3A_85, %mul3A_266 : i32
        %dma_start3A = arith.constant 0 : i32
        %dma_start3A_268 = tpu.memref_slice %arg4[%mul3A_267, %dma_start3A] : memref<273024x128xf32, #tpu.memory_space<hbm>> -> memref<128x128xf32, #tpu.memory_space<hbm>>
        %dma_start3A_269 = arith.constant 0 : i32
        %dma_start3A_270 = tpu.memref_slice %arg4[%mul3A_267, %dma_start3A_269] : memref<273024x128xf32, #tpu.memory_space<hbm>> -> memref<128x128xf32, #tpu.memory_space<hbm>>
        tpu.enqueue_dma source(%arg7 : memref<128x128xf32, #tpu.memory_space<vmem>>) target(%dma_start3A_270 : memref<128x128xf32, #tpu.memory_space<hbm>>) target_semaphore(%arg19 : memref<!tpu.dma_semaphore, #tpu.memory_space<semaphore_mem>>)
      } else {
      }
      %mul3A_117 = arith.constant 6 : i32
      %mul3A_118 = arith.muli %mul3A_117, %scan3A_47 : i32
      %add3A_119 = arith.constant 2 : i32
      %add3A_120 = arith.addi %mul3A_118, %add3A_119 : i32
      %add3A_121 = arith.addi %mul3A_2, %add3A_120 : i32
      %add3A_122 = arith.constant 4 : i32
      %add3A_123 = arith.addi %add3A_120, %add3A_122 : i32
      %ge3A_124 = arith.constant 6 : i32
      %ge3A_125 = arith.cmpi sge, %add3A_123, %ge3A_124 : i32
      %add3A_126 = arith.constant 4 : i32
      %add3A_127 = arith.addi %add3A_121, %add3A_126 : i32
      %sub3A_128 = arith.constant 6 : i32
      %sub3A_129 = arith.subi %add3A_127, %sub3A_128 : i32
      %lt3A_130 = arith.constant 2133 : i32
      %lt3A_131 = arith.cmpi slt, %sub3A_129, %lt3A_130 : i32
      %and3A_132 = arith.andi %ge3A_125, %lt3A_131 : i1
      %convert_element_type3A_133 = arith.extui %and3A_132 : i1 to i32
      %cond3A_134 = arith.constant 0 : i32
      %cond3A_135 = arith.cmpi ne, %convert_element_type3A_133, %cond3A_134 : i32
      scf.if %cond3A_135 {
        %dma_wait3A = arith.constant 0 : i32
        %dma_wait3A_261 = arith.constant 0 : i32
        %dma_wait3A_262 = tpu.memref_slice %arg4[%dma_wait3A, %dma_wait3A_261] : memref<273024x128xf32, #tpu.memory_space<hbm>> -> memref<128x128xf32, #tpu.memory_space<hbm>>
        %dma_wait3A_263 = arith.constant 0 : i32
        %dma_wait3A_264 = arith.constant 0 : i32
        %dma_wait3A_265 = tpu.memref_slice %arg4[%dma_wait3A_263, %dma_wait3A_264] : memref<273024x128xf32, #tpu.memory_space<hbm>> -> memref<128x128xf32, #tpu.memory_space<hbm>>
        tpu.wait_dma2 semaphore(%arg18 : memref<!tpu.dma_semaphore, #tpu.memory_space<semaphore_mem>>) src(%arg6 : memref<128x128xf32, #tpu.memory_space<vmem>>) dst(%dma_wait3A_265 : memref<128x128xf32, #tpu.memory_space<hbm>>)
      } else {
      }
      %add3A_136 = arith.constant 4 : i32
      %add3A_137 = arith.addi %add3A_120, %add3A_136 : i32
      %lt3A_138 = arith.constant 72 : i32
      %lt3A_139 = arith.cmpi slt, %add3A_137, %lt3A_138 : i32
      %add3A_140 = arith.constant 4 : i32
      %add3A_141 = arith.addi %add3A_121, %add3A_140 : i32
      %lt3A_142 = arith.constant 2133 : i32
      %lt3A_143 = arith.cmpi slt, %add3A_141, %lt3A_142 : i32
      %and3A_144 = arith.andi %lt3A_139, %lt3A_143 : i1
      %convert_element_type3A_145 = arith.extui %and3A_144 : i1 to i32
      %cond3A_146 = arith.constant 0 : i32
      %cond3A_147 = arith.cmpi ne, %convert_element_type3A_145, %cond3A_146 : i32
      scf.if %cond3A_147 {
        %add3A_261 = arith.constant 4 : i32
        %add3A_262 = arith.addi %add3A_120, %add3A_261 : i32
        %dma_start3A = arith.constant 0 : i32
        %dma_start3A_263 = tpu.memref_slice %arg5[%add3A_262, %dma_start3A] : memref<72x128xi32, #tpu.memory_space<vmem>> -> memref<1x128xi32, #tpu.memory_space<vmem>>
        %dma_start3A_264 = tpu.memref_squeeze %dma_start3A_263 : memref<1x128xi32, #tpu.memory_space<vmem>> -> memref<128xi32, #tpu.memory_space<vmem>>
        %dma_start3A_265 = arith.constant 0 : i32
        %dma_start3A_266 = arith.constant 0 : i32
        %dma_start3A_267 = tpu.memref_slice %arg3[%dma_start3A_265, %dma_start3A_266] : memref<80000x128xf32, #tpu.memory_space<hbm>> -> memref<80000x128xf32, #tpu.memory_space<hbm>>
        tpu.enqueue_indirect_dma source(%dma_start3A_267 : memref<80000x128xf32, #tpu.memory_space<hbm>>) target(%arg6 : memref<128x128xf32, #tpu.memory_space<vmem>>) offsets(%dma_start3A_264 : memref<128xi32, #tpu.memory_space<vmem>>) semaphore(%arg12 : memref<!tpu.dma_semaphore, #tpu.memory_space<semaphore_mem>>)
      } else {
      }
      %lt3A_148 = arith.constant 2133 : i32
      %lt3A_149 = arith.cmpi slt, %add3A_121, %lt3A_148 : i32
      %convert_element_type3A_150 = arith.extui %lt3A_149 : i1 to i32
      %cond3A_151 = arith.constant 0 : i32
      %cond3A_152 = arith.cmpi ne, %convert_element_type3A_150, %cond3A_151 : i32
      scf.if %cond3A_152 {
        %dma_wait3A = arith.constant 0 : i32
        %dma_wait3A_261 = tpu.memref_slice %arg5[%add3A_120, %dma_wait3A] : memref<72x128xi32, #tpu.memory_space<vmem>> -> memref<1x128xi32, #tpu.memory_space<vmem>>
        %dma_wait3A_262 = tpu.memref_squeeze %dma_wait3A_261 : memref<1x128xi32, #tpu.memory_space<vmem>> -> memref<128xi32, #tpu.memory_space<vmem>>
        %dma_wait3A_263 = arith.constant 0 : i32
        %dma_wait3A_264 = arith.constant 0 : i32
        %dma_wait3A_265 = tpu.memref_slice %arg3[%dma_wait3A_263, %dma_wait3A_264] : memref<80000x128xf32, #tpu.memory_space<hbm>> -> memref<80000x128xf32, #tpu.memory_space<hbm>>
        tpu.wait_indirect_dma semaphore(%arg14 : memref<!tpu.dma_semaphore, #tpu.memory_space<semaphore_mem>>) src(%dma_wait3A_265 : memref<80000x128xf32, #tpu.memory_space<hbm>>) dst(%arg8 : memref<128x128xf32, #tpu.memory_space<vmem>>)
        %mul3A_266 = arith.constant 128 : i32
        %mul3A_267 = arith.muli %add3A_121, %mul3A_266 : i32
        %dma_start3A = arith.constant 0 : i32
        %dma_start3A_268 = tpu.memref_slice %arg4[%mul3A_267, %dma_start3A] : memref<273024x128xf32, #tpu.memory_space<hbm>> -> memref<128x128xf32, #tpu.memory_space<hbm>>
        %dma_start3A_269 = arith.constant 0 : i32
        %dma_start3A_270 = tpu.memref_slice %arg4[%mul3A_267, %dma_start3A_269] : memref<273024x128xf32, #tpu.memory_space<hbm>> -> memref<128x128xf32, #tpu.memory_space<hbm>>
        tpu.enqueue_dma source(%arg8 : memref<128x128xf32, #tpu.memory_space<vmem>>) target(%dma_start3A_270 : memref<128x128xf32, #tpu.memory_space<hbm>>) target_semaphore(%arg20 : memref<!tpu.dma_semaphore, #tpu.memory_space<semaphore_mem>>)
      } else {
      }
      %mul3A_153 = arith.constant 6 : i32
      %mul3A_154 = arith.muli %mul3A_153, %scan3A_47 : i32
      %add3A_155 = arith.constant 3 : i32
      %add3A_156 = arith.addi %mul3A_154, %add3A_155 : i32
      %add3A_157 = arith.addi %mul3A_2, %add3A_156 : i32
      %add3A_158 = arith.constant 4 : i32
      %add3A_159 = arith.addi %add3A_156, %add3A_158 : i32
      %ge3A_160 = arith.constant 6 : i32
      %ge3A_161 = arith.cmpi sge, %add3A_159, %ge3A_160 : i32
      %add3A_162 = arith.constant 4 : i32
      %add3A_163 = arith.addi %add3A_157, %add3A_162 : i32
      %sub3A_164 = arith.constant 6 : i32
      %sub3A_165 = arith.subi %add3A_163, %sub3A_164 : i32
      %lt3A_166 = arith.constant 2133 : i32
      %lt3A_167 = arith.cmpi slt, %sub3A_165, %lt3A_166 : i32
      %and3A_168 = arith.andi %ge3A_161, %lt3A_167 : i1
      %convert_element_type3A_169 = arith.extui %and3A_168 : i1 to i32
      %cond3A_170 = arith.constant 0 : i32
      %cond3A_171 = arith.cmpi ne, %convert_element_type3A_169, %cond3A_170 : i32
      scf.if %cond3A_171 {
        %dma_wait3A = arith.constant 0 : i32
        %dma_wait3A_261 = arith.constant 0 : i32
        %dma_wait3A_262 = tpu.memref_slice %arg4[%dma_wait3A, %dma_wait3A_261] : memref<273024x128xf32, #tpu.memory_space<hbm>> -> memref<128x128xf32, #tpu.memory_space<hbm>>
        %dma_wait3A_263 = arith.constant 0 : i32
        %dma_wait3A_264 = arith.constant 0 : i32
        %dma_wait3A_265 = tpu.memref_slice %arg4[%dma_wait3A_263, %dma_wait3A_264] : memref<273024x128xf32, #tpu.memory_space<hbm>> -> memref<128x128xf32, #tpu.memory_space<hbm>>
        tpu.wait_dma2 semaphore(%arg19 : memref<!tpu.dma_semaphore, #tpu.memory_space<semaphore_mem>>) src(%arg7 : memref<128x128xf32, #tpu.memory_space<vmem>>) dst(%dma_wait3A_265 : memref<128x128xf32, #tpu.memory_space<hbm>>)
      } else {
      }
      %add3A_172 = arith.constant 4 : i32
      %add3A_173 = arith.addi %add3A_156, %add3A_172 : i32
      %lt3A_174 = arith.constant 72 : i32
      %lt3A_175 = arith.cmpi slt, %add3A_173, %lt3A_174 : i32
      %add3A_176 = arith.constant 4 : i32
      %add3A_177 = arith.addi %add3A_157, %add3A_176 : i32
      %lt3A_178 = arith.constant 2133 : i32
      %lt3A_179 = arith.cmpi slt, %add3A_177, %lt3A_178 : i32
      %and3A_180 = arith.andi %lt3A_175, %lt3A_179 : i1
      %convert_element_type3A_181 = arith.extui %and3A_180 : i1 to i32
      %cond3A_182 = arith.constant 0 : i32
      %cond3A_183 = arith.cmpi ne, %convert_element_type3A_181, %cond3A_182 : i32
      scf.if %cond3A_183 {
        %add3A_261 = arith.constant 4 : i32
        %add3A_262 = arith.addi %add3A_156, %add3A_261 : i32
        %dma_start3A = arith.constant 0 : i32
        %dma_start3A_263 = tpu.memref_slice %arg5[%add3A_262, %dma_start3A] : memref<72x128xi32, #tpu.memory_space<vmem>> -> memref<1x128xi32, #tpu.memory_space<vmem>>
        %dma_start3A_264 = tpu.memref_squeeze %dma_start3A_263 : memref<1x128xi32, #tpu.memory_space<vmem>> -> memref<128xi32, #tpu.memory_space<vmem>>
        %dma_start3A_265 = arith.constant 0 : i32
        %dma_start3A_266 = arith.constant 0 : i32
        %dma_start3A_267 = tpu.memref_slice %arg3[%dma_start3A_265, %dma_start3A_266] : memref<80000x128xf32, #tpu.memory_space<hbm>> -> memref<80000x128xf32, #tpu.memory_space<hbm>>
        tpu.enqueue_indirect_dma source(%dma_start3A_267 : memref<80000x128xf32, #tpu.memory_space<hbm>>) target(%arg7 : memref<128x128xf32, #tpu.memory_space<vmem>>) offsets(%dma_start3A_264 : memref<128xi32, #tpu.memory_space<vmem>>) semaphore(%arg13 : memref<!tpu.dma_semaphore, #tpu.memory_space<semaphore_mem>>)
      } else {
      }
      %lt3A_184 = arith.constant 2133 : i32
      %lt3A_185 = arith.cmpi slt, %add3A_157, %lt3A_184 : i32
      %convert_element_type3A_186 = arith.extui %lt3A_185 : i1 to i32
      %cond3A_187 = arith.constant 0 : i32
      %cond3A_188 = arith.cmpi ne, %convert_element_type3A_186, %cond3A_187 : i32
      scf.if %cond3A_188 {
        %dma_wait3A = arith.constant 0 : i32
        %dma_wait3A_261 = tpu.memref_slice %arg5[%add3A_156, %dma_wait3A] : memref<72x128xi32, #tpu.memory_space<vmem>> -> memref<1x128xi32, #tpu.memory_space<vmem>>
        %dma_wait3A_262 = tpu.memref_squeeze %dma_wait3A_261 : memref<1x128xi32, #tpu.memory_space<vmem>> -> memref<128xi32, #tpu.memory_space<vmem>>
        %dma_wait3A_263 = arith.constant 0 : i32
        %dma_wait3A_264 = arith.constant 0 : i32
        %dma_wait3A_265 = tpu.memref_slice %arg3[%dma_wait3A_263, %dma_wait3A_264] : memref<80000x128xf32, #tpu.memory_space<hbm>> -> memref<80000x128xf32, #tpu.memory_space<hbm>>
        tpu.wait_indirect_dma semaphore(%arg15 : memref<!tpu.dma_semaphore, #tpu.memory_space<semaphore_mem>>) src(%dma_wait3A_265 : memref<80000x128xf32, #tpu.memory_space<hbm>>) dst(%arg9 : memref<128x128xf32, #tpu.memory_space<vmem>>)
        %mul3A_266 = arith.constant 128 : i32
        %mul3A_267 = arith.muli %add3A_157, %mul3A_266 : i32
        %dma_start3A = arith.constant 0 : i32
        %dma_start3A_268 = tpu.memref_slice %arg4[%mul3A_267, %dma_start3A] : memref<273024x128xf32, #tpu.memory_space<hbm>> -> memref<128x128xf32, #tpu.memory_space<hbm>>
        %dma_start3A_269 = arith.constant 0 : i32
        %dma_start3A_270 = tpu.memref_slice %arg4[%mul3A_267, %dma_start3A_269] : memref<273024x128xf32, #tpu.memory_space<hbm>> -> memref<128x128xf32, #tpu.memory_space<hbm>>
        tpu.enqueue_dma source(%arg9 : memref<128x128xf32, #tpu.memory_space<vmem>>) target(%dma_start3A_270 : memref<128x128xf32, #tpu.memory_space<hbm>>) target_semaphore(%arg21 : memref<!tpu.dma_semaphore, #tpu.memory_space<semaphore_mem>>)
      } else {
      }
      %mul3A_189 = arith.constant 6 : i32
      %mul3A_190 = arith.muli %mul3A_189, %scan3A_47 : i32
      %add3A_191 = arith.constant 4 : i32
      %add3A_192 = arith.addi %mul3A_190, %add3A_191 : i32
      %add3A_193 = arith.addi %mul3A_2, %add3A_192 : i32
      %add3A_194 = arith.constant 4 : i32
      %add3A_195 = arith.addi %add3A_192, %add3A_194 : i32
      %ge3A_196 = arith.constant 6 : i32
      %ge3A_197 = arith.cmpi sge, %add3A_195, %ge3A_196 : i32
      %add3A_198 = arith.constant 4 : i32
      %add3A_199 = arith.addi %add3A_193, %add3A_198 : i32
      %sub3A_200 = arith.constant 6 : i32
      %sub3A_201 = arith.subi %add3A_199, %sub3A_200 : i32
      %lt3A_202 = arith.constant 2133 : i32
      %lt3A_203 = arith.cmpi slt, %sub3A_201, %lt3A_202 : i32
      %and3A_204 = arith.andi %ge3A_197, %lt3A_203 : i1
      %convert_element_type3A_205 = arith.extui %and3A_204 : i1 to i32
      %cond3A_206 = arith.constant 0 : i32
      %cond3A_207 = arith.cmpi ne, %convert_element_type3A_205, %cond3A_206 : i32
      scf.if %cond3A_207 {
        %dma_wait3A = arith.constant 0 : i32
        %dma_wait3A_261 = arith.constant 0 : i32
        %dma_wait3A_262 = tpu.memref_slice %arg4[%dma_wait3A, %dma_wait3A_261] : memref<273024x128xf32, #tpu.memory_space<hbm>> -> memref<128x128xf32, #tpu.memory_space<hbm>>
        %dma_wait3A_263 = arith.constant 0 : i32
        %dma_wait3A_264 = arith.constant 0 : i32
        %dma_wait3A_265 = tpu.memref_slice %arg4[%dma_wait3A_263, %dma_wait3A_264] : memref<273024x128xf32, #tpu.memory_space<hbm>> -> memref<128x128xf32, #tpu.memory_space<hbm>>
        tpu.wait_dma2 semaphore(%arg20 : memref<!tpu.dma_semaphore, #tpu.memory_space<semaphore_mem>>) src(%arg8 : memref<128x128xf32, #tpu.memory_space<vmem>>) dst(%dma_wait3A_265 : memref<128x128xf32, #tpu.memory_space<hbm>>)
      } else {
      }
      %add3A_208 = arith.constant 4 : i32
      %add3A_209 = arith.addi %add3A_192, %add3A_208 : i32
      %lt3A_210 = arith.constant 72 : i32
      %lt3A_211 = arith.cmpi slt, %add3A_209, %lt3A_210 : i32
      %add3A_212 = arith.constant 4 : i32
      %add3A_213 = arith.addi %add3A_193, %add3A_212 : i32
      %lt3A_214 = arith.constant 2133 : i32
      %lt3A_215 = arith.cmpi slt, %add3A_213, %lt3A_214 : i32
      %and3A_216 = arith.andi %lt3A_211, %lt3A_215 : i1
      %convert_element_type3A_217 = arith.extui %and3A_216 : i1 to i32
      %cond3A_218 = arith.constant 0 : i32
      %cond3A_219 = arith.cmpi ne, %convert_element_type3A_217, %cond3A_218 : i32
      scf.if %cond3A_219 {
        %add3A_261 = arith.constant 4 : i32
        %add3A_262 = arith.addi %add3A_192, %add3A_261 : i32
        %dma_start3A = arith.constant 0 : i32
        %dma_start3A_263 = tpu.memref_slice %arg5[%add3A_262, %dma_start3A] : memref<72x128xi32, #tpu.memory_space<vmem>> -> memref<1x128xi32, #tpu.memory_space<vmem>>
        %dma_start3A_264 = tpu.memref_squeeze %dma_start3A_263 : memref<1x128xi32, #tpu.memory_space<vmem>> -> memref<128xi32, #tpu.memory_space<vmem>>
        %dma_start3A_265 = arith.constant 0 : i32
        %dma_start3A_266 = arith.constant 0 : i32
        %dma_start3A_267 = tpu.memref_slice %arg3[%dma_start3A_265, %dma_start3A_266] : memref<80000x128xf32, #tpu.memory_space<hbm>> -> memref<80000x128xf32, #tpu.memory_space<hbm>>
        tpu.enqueue_indirect_dma source(%dma_start3A_267 : memref<80000x128xf32, #tpu.memory_space<hbm>>) target(%arg8 : memref<128x128xf32, #tpu.memory_space<vmem>>) offsets(%dma_start3A_264 : memref<128xi32, #tpu.memory_space<vmem>>) semaphore(%arg14 : memref<!tpu.dma_semaphore, #tpu.memory_space<semaphore_mem>>)
      } else {
      }
      %lt3A_220 = arith.constant 2133 : i32
      %lt3A_221 = arith.cmpi slt, %add3A_193, %lt3A_220 : i32
      %convert_element_type3A_222 = arith.extui %lt3A_221 : i1 to i32
      %cond3A_223 = arith.constant 0 : i32
      %cond3A_224 = arith.cmpi ne, %convert_element_type3A_222, %cond3A_223 : i32
      scf.if %cond3A_224 {
        %dma_wait3A = arith.constant 0 : i32
        %dma_wait3A_261 = tpu.memref_slice %arg5[%add3A_192, %dma_wait3A] : memref<72x128xi32, #tpu.memory_space<vmem>> -> memref<1x128xi32, #tpu.memory_space<vmem>>
        %dma_wait3A_262 = tpu.memref_squeeze %dma_wait3A_261 : memref<1x128xi32, #tpu.memory_space<vmem>> -> memref<128xi32, #tpu.memory_space<vmem>>
        %dma_wait3A_263 = arith.constant 0 : i32
        %dma_wait3A_264 = arith.constant 0 : i32
        %dma_wait3A_265 = tpu.memref_slice %arg3[%dma_wait3A_263, %dma_wait3A_264] : memref<80000x128xf32, #tpu.memory_space<hbm>> -> memref<80000x128xf32, #tpu.memory_space<hbm>>
        tpu.wait_indirect_dma semaphore(%arg16 : memref<!tpu.dma_semaphore, #tpu.memory_space<semaphore_mem>>) src(%dma_wait3A_265 : memref<80000x128xf32, #tpu.memory_space<hbm>>) dst(%arg10 : memref<128x128xf32, #tpu.memory_space<vmem>>)
        %mul3A_266 = arith.constant 128 : i32
        %mul3A_267 = arith.muli %add3A_193, %mul3A_266 : i32
        %dma_start3A = arith.constant 0 : i32
        %dma_start3A_268 = tpu.memref_slice %arg4[%mul3A_267, %dma_start3A] : memref<273024x128xf32, #tpu.memory_space<hbm>> -> memref<128x128xf32, #tpu.memory_space<hbm>>
        %dma_start3A_269 = arith.constant 0 : i32
        %dma_start3A_270 = tpu.memref_slice %arg4[%mul3A_267, %dma_start3A_269] : memref<273024x128xf32, #tpu.memory_space<hbm>> -> memref<128x128xf32, #tpu.memory_space<hbm>>
        tpu.enqueue_dma source(%arg10 : memref<128x128xf32, #tpu.memory_space<vmem>>) target(%dma_start3A_270 : memref<128x128xf32, #tpu.memory_space<hbm>>) target_semaphore(%arg22 : memref<!tpu.dma_semaphore, #tpu.memory_space<semaphore_mem>>)
      } else {
      }
      %mul3A_225 = arith.constant 6 : i32
      %mul3A_226 = arith.muli %mul3A_225, %scan3A_47 : i32
      %add3A_227 = arith.constant 5 : i32
      %add3A_228 = arith.addi %mul3A_226, %add3A_227 : i32
      %add3A_229 = arith.addi %mul3A_2, %add3A_228 : i32
      %add3A_230 = arith.constant 4 : i32
      %add3A_231 = arith.addi %add3A_228, %add3A_230 : i32
      %ge3A_232 = arith.constant 6 : i32
      %ge3A_233 = arith.cmpi sge, %add3A_231, %ge3A_232 : i32
      %add3A_234 = arith.constant 4 : i32
      %add3A_235 = arith.addi %add3A_229, %add3A_234 : i32
      %sub3A_236 = arith.constant 6 : i32
      %sub3A_237 = arith.subi %add3A_235, %sub3A_236 : i32
      %lt3A_238 = arith.constant 2133 : i32
      %lt3A_239 = arith.cmpi slt, %sub3A_237, %lt3A_238 : i32
      %and3A_240 = arith.andi %ge3A_233, %lt3A_239 : i1
      %convert_element_type3A_241 = arith.extui %and3A_240 : i1 to i32
      %cond3A_242 = arith.constant 0 : i32
      %cond3A_243 = arith.cmpi ne, %convert_element_type3A_241, %cond3A_242 : i32
      scf.if %cond3A_243 {
        %dma_wait3A = arith.constant 0 : i32
        %dma_wait3A_261 = arith.constant 0 : i32
        %dma_wait3A_262 = tpu.memref_slice %arg4[%dma_wait3A, %dma_wait3A_261] : memref<273024x128xf32, #tpu.memory_space<hbm>> -> memref<128x128xf32, #tpu.memory_space<hbm>>
        %dma_wait3A_263 = arith.constant 0 : i32
        %dma_wait3A_264 = arith.constant 0 : i32
        %dma_wait3A_265 = tpu.memref_slice %arg4[%dma_wait3A_263, %dma_wait3A_264] : memref<273024x128xf32, #tpu.memory_space<hbm>> -> memref<128x128xf32, #tpu.memory_space<hbm>>
        tpu.wait_dma2 semaphore(%arg21 : memref<!tpu.dma_semaphore, #tpu.memory_space<semaphore_mem>>) src(%arg9 : memref<128x128xf32, #tpu.memory_space<vmem>>) dst(%dma_wait3A_265 : memref<128x128xf32, #tpu.memory_space<hbm>>)
      } else {
      }
      %add3A_244 = arith.constant 4 : i32
      %add3A_245 = arith.addi %add3A_228, %add3A_244 : i32
      %lt3A_246 = arith.constant 72 : i32
      %lt3A_247 = arith.cmpi slt, %add3A_245, %lt3A_246 : i32
      %add3A_248 = arith.constant 4 : i32
      %add3A_249 = arith.addi %add3A_229, %add3A_248 : i32
      %lt3A_250 = arith.constant 2133 : i32
      %lt3A_251 = arith.cmpi slt, %add3A_249, %lt3A_250 : i32
      %and3A_252 = arith.andi %lt3A_247, %lt3A_251 : i1
      %convert_element_type3A_253 = arith.extui %and3A_252 : i1 to i32
      %cond3A_254 = arith.constant 0 : i32
      %cond3A_255 = arith.cmpi ne, %convert_element_type3A_253, %cond3A_254 : i32
      scf.if %cond3A_255 {
        %add3A_261 = arith.constant 4 : i32
        %add3A_262 = arith.addi %add3A_228, %add3A_261 : i32
        %dma_start3A = arith.constant 0 : i32
        %dma_start3A_263 = tpu.memref_slice %arg5[%add3A_262, %dma_start3A] : memref<72x128xi32, #tpu.memory_space<vmem>> -> memref<1x128xi32, #tpu.memory_space<vmem>>
        %dma_start3A_264 = tpu.memref_squeeze %dma_start3A_263 : memref<1x128xi32, #tpu.memory_space<vmem>> -> memref<128xi32, #tpu.memory_space<vmem>>
        %dma_start3A_265 = arith.constant 0 : i32
        %dma_start3A_266 = arith.constant 0 : i32
        %dma_start3A_267 = tpu.memref_slice %arg3[%dma_start3A_265, %dma_start3A_266] : memref<80000x128xf32, #tpu.memory_space<hbm>> -> memref<80000x128xf32, #tpu.memory_space<hbm>>
        tpu.enqueue_indirect_dma source(%dma_start3A_267 : memref<80000x128xf32, #tpu.memory_space<hbm>>) target(%arg9 : memref<128x128xf32, #tpu.memory_space<vmem>>) offsets(%dma_start3A_264 : memref<128xi32, #tpu.memory_space<vmem>>) semaphore(%arg15 : memref<!tpu.dma_semaphore, #tpu.memory_space<semaphore_mem>>)
      } else {
      }
      %lt3A_256 = arith.constant 2133 : i32
      %lt3A_257 = arith.cmpi slt, %add3A_229, %lt3A_256 : i32
      %convert_element_type3A_258 = arith.extui %lt3A_257 : i1 to i32
      %cond3A_259 = arith.constant 0 : i32
      %cond3A_260 = arith.cmpi ne, %convert_element_type3A_258, %cond3A_259 : i32
      scf.if %cond3A_260 {
        %dma_wait3A = arith.constant 0 : i32
        %dma_wait3A_261 = tpu.memref_slice %arg5[%add3A_228, %dma_wait3A] : memref<72x128xi32, #tpu.memory_space<vmem>> -> memref<1x128xi32, #tpu.memory_space<vmem>>
        %dma_wait3A_262 = tpu.memref_squeeze %dma_wait3A_261 : memref<1x128xi32, #tpu.memory_space<vmem>> -> memref<128xi32, #tpu.memory_space<vmem>>
        %dma_wait3A_263 = arith.constant 0 : i32
        %dma_wait3A_264 = arith.constant 0 : i32
        %dma_wait3A_265 = tpu.memref_slice %arg3[%dma_wait3A_263, %dma_wait3A_264] : memref<80000x128xf32, #tpu.memory_space<hbm>> -> memref<80000x128xf32, #tpu.memory_space<hbm>>
        tpu.wait_indirect_dma semaphore(%arg17 : memref<!tpu.dma_semaphore, #tpu.memory_space<semaphore_mem>>) src(%dma_wait3A_265 : memref<80000x128xf32, #tpu.memory_space<hbm>>) dst(%arg11 : memref<128x128xf32, #tpu.memory_space<vmem>>)
        %mul3A_266 = arith.constant 128 : i32
        %mul3A_267 = arith.muli %add3A_229, %mul3A_266 : i32
        %dma_start3A = arith.constant 0 : i32
        %dma_start3A_268 = tpu.memref_slice %arg4[%mul3A_267, %dma_start3A] : memref<273024x128xf32, #tpu.memory_space<hbm>> -> memref<128x128xf32, #tpu.memory_space<hbm>>
        %dma_start3A_269 = arith.constant 0 : i32
        %dma_start3A_270 = tpu.memref_slice %arg4[%mul3A_267, %dma_start3A_269] : memref<273024x128xf32, #tpu.memory_space<hbm>> -> memref<128x128xf32, #tpu.memory_space<hbm>>
        tpu.enqueue_dma source(%arg11 : memref<128x128xf32, #tpu.memory_space<vmem>>) target(%dma_start3A_270 : memref<128x128xf32, #tpu.memory_space<hbm>>) target_semaphore(%arg23 : memref<!tpu.dma_semaphore, #tpu.memory_space<semaphore_mem>>)
      } else {
      }
    }
    %scan3A_32 = arith.constant 12 : i32
    %add3A_33 = arith.constant 70 : i32
    %add3A_34 = arith.addi %mul3A_2, %add3A_33 : i32
    %lt3A_35 = arith.constant 2133 : i32
    %lt3A_36 = arith.cmpi slt, %add3A_34, %lt3A_35 : i32
    %convert_element_type3A_37 = arith.extui %lt3A_36 : i1 to i32
    %cond3A_38 = arith.constant 0 : i32
    %cond3A_39 = arith.cmpi ne, %convert_element_type3A_37, %cond3A_38 : i32
    scf.if %cond3A_39 {
      %dma_wait3A = arith.constant 0 : i32
      %dma_wait3A_47 = arith.constant 0 : i32
      %dma_wait3A_48 = tpu.memref_slice %arg4[%dma_wait3A, %dma_wait3A_47] : memref<273024x128xf32, #tpu.memory_space<hbm>> -> memref<128x128xf32, #tpu.memory_space<hbm>>
      %dma_wait3A_49 = arith.constant 0 : i32
      %dma_wait3A_50 = arith.constant 0 : i32
      %dma_wait3A_51 = tpu.memref_slice %arg4[%dma_wait3A_49, %dma_wait3A_50] : memref<273024x128xf32, #tpu.memory_space<hbm>> -> memref<128x128xf32, #tpu.memory_space<hbm>>
      tpu.wait_dma2 semaphore(%arg22 : memref<!tpu.dma_semaphore, #tpu.memory_space<semaphore_mem>>) src(%arg10 : memref<128x128xf32, #tpu.memory_space<vmem>>) dst(%dma_wait3A_51 : memref<128x128xf32, #tpu.memory_space<hbm>>)
    } else {
    }
    %add3A_40 = arith.constant 71 : i32
    %add3A_41 = arith.addi %mul3A_2, %add3A_40 : i32
    %lt3A_42 = arith.constant 2133 : i32
    %lt3A_43 = arith.cmpi slt, %add3A_41, %lt3A_42 : i32
    %convert_element_type3A_44 = arith.extui %lt3A_43 : i1 to i32
    %cond3A_45 = arith.constant 0 : i32
    %cond3A_46 = arith.cmpi ne, %convert_element_type3A_44, %cond3A_45 : i32
    scf.if %cond3A_46 {
      %dma_wait3A = arith.constant 0 : i32
      %dma_wait3A_47 = arith.constant 0 : i32
      %dma_wait3A_48 = tpu.memref_slice %arg4[%dma_wait3A, %dma_wait3A_47] : memref<273024x128xf32, #tpu.memory_space<hbm>> -> memref<128x128xf32, #tpu.memory_space<hbm>>
      %dma_wait3A_49 = arith.constant 0 : i32
      %dma_wait3A_50 = arith.constant 0 : i32
      %dma_wait3A_51 = tpu.memref_slice %arg4[%dma_wait3A_49, %dma_wait3A_50] : memref<273024x128xf32, #tpu.memory_space<hbm>> -> memref<128x128xf32, #tpu.memory_space<hbm>>
      tpu.wait_dma2 semaphore(%arg23 : memref<!tpu.dma_semaphore, #tpu.memory_space<semaphore_mem>>) src(%arg11 : memref<128x128xf32, #tpu.memory_space<vmem>>) dst(%dma_wait3A_51 : memref<128x128xf32, #tpu.memory_space<hbm>>)
    } else {
    }
    return
  }
}

module attributes {stable_mosaic.version = 14 : i64} {
  func.func @_mm_body(%arg0: i32, %arg1: memref<27x400x128xf32, #tpu.memory_space<vmem>>, %arg2: memref<27x128x128xbf16, #tpu.memory_space<vmem>>, %arg3: memref<400x128xf32, #tpu.memory_space<vmem>>) attributes {dimension_semantics = [#tpu.dimension_semantics<arbitrary>], iteration_bounds = array<i64: 25>, scalar_prefetch = 0 : i64, scratch_operands = 0 : i64, tpu.core_type = #tpu.core_type<tc>, window_params = [{transform_indices = @transform_0, window_bounds = array<i64: 27, 400, 128>}, {pipeline_mode = #tpu.pipeline_mode<synchronous>, transform_indices = @transform_1, window_bounds = array<i64: 27, 128, 128>}, {transform_indices = @transform_2, window_bounds = array<i64: 400, 128>}]} {
    %broadcast_in_dim3A = arith.constant 0.000000e+00 : f32
    %broadcast_in_dim3A_0 = vector.broadcast %broadcast_in_dim3A : f32 to vector<400x128xf32>
    %get3A = arith.constant 0 : index
    %get3A_1 = arith.constant 0 : index
    %get3A_2 = arith.constant 0 : index
    %get3A_3 = vector.load %arg1[%get3A, %get3A_1, %get3A_2] : memref<27x400x128xf32, #tpu.memory_space<vmem>>, vector<1x400x128xf32>
    %get3A_4 = vector.shape_cast %get3A_3 : vector<1x400x128xf32> to vector<400x128xf32>
    %convert_element_type3A = arith.truncf %get3A_4 : vector<400x128xf32> to vector<400x128xbf16>
    %get3A_5 = arith.constant 0 : index
    %get3A_6 = arith.constant 0 : index
    %get3A_7 = arith.constant 0 : index
    %get3A_8 = vector.load %arg2[%get3A_5, %get3A_6, %get3A_7] : memref<27x128x128xbf16, #tpu.memory_space<vmem>>, vector<1x128x128xbf16>
    %get3A_9 = vector.shape_cast %get3A_8 : vector<1x128x128xbf16> to vector<128x128xbf16>
    %dot_general3A = arith.constant dense<0.000000e+00> : vector<400x128xf32>
    %dot_general3A_10 = tpu.matmul %convert_element_type3A, %get3A_9, %dot_general3A {dimension_numbers = #tpu.dot_dimension_numbers<[1], [0], [0], [1], [0, 0, 1, 1], [], []>, transpose_lhs_hint = false} : vector<400x128xbf16>, vector<128x128xbf16>, vector<400x128xf32> -> vector<400x128xf32>
    %add3A = arith.addf %broadcast_in_dim3A_0, %dot_general3A_10 : vector<400x128xf32>
    %get3A_11 = arith.constant 1 : index
    %get3A_12 = arith.constant 0 : index
    %get3A_13 = arith.constant 0 : index
    %get3A_14 = vector.load %arg1[%get3A_11, %get3A_12, %get3A_13] : memref<27x400x128xf32, #tpu.memory_space<vmem>>, vector<1x400x128xf32>
    %get3A_15 = vector.shape_cast %get3A_14 : vector<1x400x128xf32> to vector<400x128xf32>
    %convert_element_type3A_16 = arith.truncf %get3A_15 : vector<400x128xf32> to vector<400x128xbf16>
    %get3A_17 = arith.constant 1 : index
    %get3A_18 = arith.constant 0 : index
    %get3A_19 = arith.constant 0 : index
    %get3A_20 = vector.load %arg2[%get3A_17, %get3A_18, %get3A_19] : memref<27x128x128xbf16, #tpu.memory_space<vmem>>, vector<1x128x128xbf16>
    %get3A_21 = vector.shape_cast %get3A_20 : vector<1x128x128xbf16> to vector<128x128xbf16>
    %dot_general3A_22 = arith.constant dense<0.000000e+00> : vector<400x128xf32>
    %dot_general3A_23 = tpu.matmul %convert_element_type3A_16, %get3A_21, %dot_general3A_22 {dimension_numbers = #tpu.dot_dimension_numbers<[1], [0], [0], [1], [0, 0, 1, 1], [], []>, transpose_lhs_hint = false} : vector<400x128xbf16>, vector<128x128xbf16>, vector<400x128xf32> -> vector<400x128xf32>
    %add3A_24 = arith.addf %add3A, %dot_general3A_23 : vector<400x128xf32>
    %get3A_25 = arith.constant 2 : index
    %get3A_26 = arith.constant 0 : index
    %get3A_27 = arith.constant 0 : index
    %get3A_28 = vector.load %arg1[%get3A_25, %get3A_26, %get3A_27] : memref<27x400x128xf32, #tpu.memory_space<vmem>>, vector<1x400x128xf32>
    %get3A_29 = vector.shape_cast %get3A_28 : vector<1x400x128xf32> to vector<400x128xf32>
    %convert_element_type3A_30 = arith.truncf %get3A_29 : vector<400x128xf32> to vector<400x128xbf16>
    %get3A_31 = arith.constant 2 : index
    %get3A_32 = arith.constant 0 : index
    %get3A_33 = arith.constant 0 : index
    %get3A_34 = vector.load %arg2[%get3A_31, %get3A_32, %get3A_33] : memref<27x128x128xbf16, #tpu.memory_space<vmem>>, vector<1x128x128xbf16>
    %get3A_35 = vector.shape_cast %get3A_34 : vector<1x128x128xbf16> to vector<128x128xbf16>
    %dot_general3A_36 = arith.constant dense<0.000000e+00> : vector<400x128xf32>
    %dot_general3A_37 = tpu.matmul %convert_element_type3A_30, %get3A_35, %dot_general3A_36 {dimension_numbers = #tpu.dot_dimension_numbers<[1], [0], [0], [1], [0, 0, 1, 1], [], []>, transpose_lhs_hint = false} : vector<400x128xbf16>, vector<128x128xbf16>, vector<400x128xf32> -> vector<400x128xf32>
    %add3A_38 = arith.addf %add3A_24, %dot_general3A_37 : vector<400x128xf32>
    %get3A_39 = arith.constant 3 : index
    %get3A_40 = arith.constant 0 : index
    %get3A_41 = arith.constant 0 : index
    %get3A_42 = vector.load %arg1[%get3A_39, %get3A_40, %get3A_41] : memref<27x400x128xf32, #tpu.memory_space<vmem>>, vector<1x400x128xf32>
    %get3A_43 = vector.shape_cast %get3A_42 : vector<1x400x128xf32> to vector<400x128xf32>
    %convert_element_type3A_44 = arith.truncf %get3A_43 : vector<400x128xf32> to vector<400x128xbf16>
    %get3A_45 = arith.constant 3 : index
    %get3A_46 = arith.constant 0 : index
    %get3A_47 = arith.constant 0 : index
    %get3A_48 = vector.load %arg2[%get3A_45, %get3A_46, %get3A_47] : memref<27x128x128xbf16, #tpu.memory_space<vmem>>, vector<1x128x128xbf16>
    %get3A_49 = vector.shape_cast %get3A_48 : vector<1x128x128xbf16> to vector<128x128xbf16>
    %dot_general3A_50 = arith.constant dense<0.000000e+00> : vector<400x128xf32>
    %dot_general3A_51 = tpu.matmul %convert_element_type3A_44, %get3A_49, %dot_general3A_50 {dimension_numbers = #tpu.dot_dimension_numbers<[1], [0], [0], [1], [0, 0, 1, 1], [], []>, transpose_lhs_hint = false} : vector<400x128xbf16>, vector<128x128xbf16>, vector<400x128xf32> -> vector<400x128xf32>
    %add3A_52 = arith.addf %add3A_38, %dot_general3A_51 : vector<400x128xf32>
    %get3A_53 = arith.constant 4 : index
    %get3A_54 = arith.constant 0 : index
    %get3A_55 = arith.constant 0 : index
    %get3A_56 = vector.load %arg1[%get3A_53, %get3A_54, %get3A_55] : memref<27x400x128xf32, #tpu.memory_space<vmem>>, vector<1x400x128xf32>
    %get3A_57 = vector.shape_cast %get3A_56 : vector<1x400x128xf32> to vector<400x128xf32>
    %convert_element_type3A_58 = arith.truncf %get3A_57 : vector<400x128xf32> to vector<400x128xbf16>
    %get3A_59 = arith.constant 4 : index
    %get3A_60 = arith.constant 0 : index
    %get3A_61 = arith.constant 0 : index
    %get3A_62 = vector.load %arg2[%get3A_59, %get3A_60, %get3A_61] : memref<27x128x128xbf16, #tpu.memory_space<vmem>>, vector<1x128x128xbf16>
    %get3A_63 = vector.shape_cast %get3A_62 : vector<1x128x128xbf16> to vector<128x128xbf16>
    %dot_general3A_64 = arith.constant dense<0.000000e+00> : vector<400x128xf32>
    %dot_general3A_65 = tpu.matmul %convert_element_type3A_58, %get3A_63, %dot_general3A_64 {dimension_numbers = #tpu.dot_dimension_numbers<[1], [0], [0], [1], [0, 0, 1, 1], [], []>, transpose_lhs_hint = false} : vector<400x128xbf16>, vector<128x128xbf16>, vector<400x128xf32> -> vector<400x128xf32>
    %add3A_66 = arith.addf %add3A_52, %dot_general3A_65 : vector<400x128xf32>
    %get3A_67 = arith.constant 5 : index
    %get3A_68 = arith.constant 0 : index
    %get3A_69 = arith.constant 0 : index
    %get3A_70 = vector.load %arg1[%get3A_67, %get3A_68, %get3A_69] : memref<27x400x128xf32, #tpu.memory_space<vmem>>, vector<1x400x128xf32>
    %get3A_71 = vector.shape_cast %get3A_70 : vector<1x400x128xf32> to vector<400x128xf32>
    %convert_element_type3A_72 = arith.truncf %get3A_71 : vector<400x128xf32> to vector<400x128xbf16>
    %get3A_73 = arith.constant 5 : index
    %get3A_74 = arith.constant 0 : index
    %get3A_75 = arith.constant 0 : index
    %get3A_76 = vector.load %arg2[%get3A_73, %get3A_74, %get3A_75] : memref<27x128x128xbf16, #tpu.memory_space<vmem>>, vector<1x128x128xbf16>
    %get3A_77 = vector.shape_cast %get3A_76 : vector<1x128x128xbf16> to vector<128x128xbf16>
    %dot_general3A_78 = arith.constant dense<0.000000e+00> : vector<400x128xf32>
    %dot_general3A_79 = tpu.matmul %convert_element_type3A_72, %get3A_77, %dot_general3A_78 {dimension_numbers = #tpu.dot_dimension_numbers<[1], [0], [0], [1], [0, 0, 1, 1], [], []>, transpose_lhs_hint = false} : vector<400x128xbf16>, vector<128x128xbf16>, vector<400x128xf32> -> vector<400x128xf32>
    %add3A_80 = arith.addf %add3A_66, %dot_general3A_79 : vector<400x128xf32>
    %get3A_81 = arith.constant 6 : index
    %get3A_82 = arith.constant 0 : index
    %get3A_83 = arith.constant 0 : index
    %get3A_84 = vector.load %arg1[%get3A_81, %get3A_82, %get3A_83] : memref<27x400x128xf32, #tpu.memory_space<vmem>>, vector<1x400x128xf32>
    %get3A_85 = vector.shape_cast %get3A_84 : vector<1x400x128xf32> to vector<400x128xf32>
    %convert_element_type3A_86 = arith.truncf %get3A_85 : vector<400x128xf32> to vector<400x128xbf16>
    %get3A_87 = arith.constant 6 : index
    %get3A_88 = arith.constant 0 : index
    %get3A_89 = arith.constant 0 : index
    %get3A_90 = vector.load %arg2[%get3A_87, %get3A_88, %get3A_89] : memref<27x128x128xbf16, #tpu.memory_space<vmem>>, vector<1x128x128xbf16>
    %get3A_91 = vector.shape_cast %get3A_90 : vector<1x128x128xbf16> to vector<128x128xbf16>
    %dot_general3A_92 = arith.constant dense<0.000000e+00> : vector<400x128xf32>
    %dot_general3A_93 = tpu.matmul %convert_element_type3A_86, %get3A_91, %dot_general3A_92 {dimension_numbers = #tpu.dot_dimension_numbers<[1], [0], [0], [1], [0, 0, 1, 1], [], []>, transpose_lhs_hint = false} : vector<400x128xbf16>, vector<128x128xbf16>, vector<400x128xf32> -> vector<400x128xf32>
    %add3A_94 = arith.addf %add3A_80, %dot_general3A_93 : vector<400x128xf32>
    %get3A_95 = arith.constant 7 : index
    %get3A_96 = arith.constant 0 : index
    %get3A_97 = arith.constant 0 : index
    %get3A_98 = vector.load %arg1[%get3A_95, %get3A_96, %get3A_97] : memref<27x400x128xf32, #tpu.memory_space<vmem>>, vector<1x400x128xf32>
    %get3A_99 = vector.shape_cast %get3A_98 : vector<1x400x128xf32> to vector<400x128xf32>
    %convert_element_type3A_100 = arith.truncf %get3A_99 : vector<400x128xf32> to vector<400x128xbf16>
    %get3A_101 = arith.constant 7 : index
    %get3A_102 = arith.constant 0 : index
    %get3A_103 = arith.constant 0 : index
    %get3A_104 = vector.load %arg2[%get3A_101, %get3A_102, %get3A_103] : memref<27x128x128xbf16, #tpu.memory_space<vmem>>, vector<1x128x128xbf16>
    %get3A_105 = vector.shape_cast %get3A_104 : vector<1x128x128xbf16> to vector<128x128xbf16>
    %dot_general3A_106 = arith.constant dense<0.000000e+00> : vector<400x128xf32>
    %dot_general3A_107 = tpu.matmul %convert_element_type3A_100, %get3A_105, %dot_general3A_106 {dimension_numbers = #tpu.dot_dimension_numbers<[1], [0], [0], [1], [0, 0, 1, 1], [], []>, transpose_lhs_hint = false} : vector<400x128xbf16>, vector<128x128xbf16>, vector<400x128xf32> -> vector<400x128xf32>
    %add3A_108 = arith.addf %add3A_94, %dot_general3A_107 : vector<400x128xf32>
    %get3A_109 = arith.constant 8 : index
    %get3A_110 = arith.constant 0 : index
    %get3A_111 = arith.constant 0 : index
    %get3A_112 = vector.load %arg1[%get3A_109, %get3A_110, %get3A_111] : memref<27x400x128xf32, #tpu.memory_space<vmem>>, vector<1x400x128xf32>
    %get3A_113 = vector.shape_cast %get3A_112 : vector<1x400x128xf32> to vector<400x128xf32>
    %convert_element_type3A_114 = arith.truncf %get3A_113 : vector<400x128xf32> to vector<400x128xbf16>
    %get3A_115 = arith.constant 8 : index
    %get3A_116 = arith.constant 0 : index
    %get3A_117 = arith.constant 0 : index
    %get3A_118 = vector.load %arg2[%get3A_115, %get3A_116, %get3A_117] : memref<27x128x128xbf16, #tpu.memory_space<vmem>>, vector<1x128x128xbf16>
    %get3A_119 = vector.shape_cast %get3A_118 : vector<1x128x128xbf16> to vector<128x128xbf16>
    %dot_general3A_120 = arith.constant dense<0.000000e+00> : vector<400x128xf32>
    %dot_general3A_121 = tpu.matmul %convert_element_type3A_114, %get3A_119, %dot_general3A_120 {dimension_numbers = #tpu.dot_dimension_numbers<[1], [0], [0], [1], [0, 0, 1, 1], [], []>, transpose_lhs_hint = false} : vector<400x128xbf16>, vector<128x128xbf16>, vector<400x128xf32> -> vector<400x128xf32>
    %add3A_122 = arith.addf %add3A_108, %dot_general3A_121 : vector<400x128xf32>
    %get3A_123 = arith.constant 9 : index
    %get3A_124 = arith.constant 0 : index
    %get3A_125 = arith.constant 0 : index
    %get3A_126 = vector.load %arg1[%get3A_123, %get3A_124, %get3A_125] : memref<27x400x128xf32, #tpu.memory_space<vmem>>, vector<1x400x128xf32>
    %get3A_127 = vector.shape_cast %get3A_126 : vector<1x400x128xf32> to vector<400x128xf32>
    %convert_element_type3A_128 = arith.truncf %get3A_127 : vector<400x128xf32> to vector<400x128xbf16>
    %get3A_129 = arith.constant 9 : index
    %get3A_130 = arith.constant 0 : index
    %get3A_131 = arith.constant 0 : index
    %get3A_132 = vector.load %arg2[%get3A_129, %get3A_130, %get3A_131] : memref<27x128x128xbf16, #tpu.memory_space<vmem>>, vector<1x128x128xbf16>
    %get3A_133 = vector.shape_cast %get3A_132 : vector<1x128x128xbf16> to vector<128x128xbf16>
    %dot_general3A_134 = arith.constant dense<0.000000e+00> : vector<400x128xf32>
    %dot_general3A_135 = tpu.matmul %convert_element_type3A_128, %get3A_133, %dot_general3A_134 {dimension_numbers = #tpu.dot_dimension_numbers<[1], [0], [0], [1], [0, 0, 1, 1], [], []>, transpose_lhs_hint = false} : vector<400x128xbf16>, vector<128x128xbf16>, vector<400x128xf32> -> vector<400x128xf32>
    %add3A_136 = arith.addf %add3A_122, %dot_general3A_135 : vector<400x128xf32>
    %get3A_137 = arith.constant 10 : index
    %get3A_138 = arith.constant 0 : index
    %get3A_139 = arith.constant 0 : index
    %get3A_140 = vector.load %arg1[%get3A_137, %get3A_138, %get3A_139] : memref<27x400x128xf32, #tpu.memory_space<vmem>>, vector<1x400x128xf32>
    %get3A_141 = vector.shape_cast %get3A_140 : vector<1x400x128xf32> to vector<400x128xf32>
    %convert_element_type3A_142 = arith.truncf %get3A_141 : vector<400x128xf32> to vector<400x128xbf16>
    %get3A_143 = arith.constant 10 : index
    %get3A_144 = arith.constant 0 : index
    %get3A_145 = arith.constant 0 : index
    %get3A_146 = vector.load %arg2[%get3A_143, %get3A_144, %get3A_145] : memref<27x128x128xbf16, #tpu.memory_space<vmem>>, vector<1x128x128xbf16>
    %get3A_147 = vector.shape_cast %get3A_146 : vector<1x128x128xbf16> to vector<128x128xbf16>
    %dot_general3A_148 = arith.constant dense<0.000000e+00> : vector<400x128xf32>
    %dot_general3A_149 = tpu.matmul %convert_element_type3A_142, %get3A_147, %dot_general3A_148 {dimension_numbers = #tpu.dot_dimension_numbers<[1], [0], [0], [1], [0, 0, 1, 1], [], []>, transpose_lhs_hint = false} : vector<400x128xbf16>, vector<128x128xbf16>, vector<400x128xf32> -> vector<400x128xf32>
    %add3A_150 = arith.addf %add3A_136, %dot_general3A_149 : vector<400x128xf32>
    %get3A_151 = arith.constant 11 : index
    %get3A_152 = arith.constant 0 : index
    %get3A_153 = arith.constant 0 : index
    %get3A_154 = vector.load %arg1[%get3A_151, %get3A_152, %get3A_153] : memref<27x400x128xf32, #tpu.memory_space<vmem>>, vector<1x400x128xf32>
    %get3A_155 = vector.shape_cast %get3A_154 : vector<1x400x128xf32> to vector<400x128xf32>
    %convert_element_type3A_156 = arith.truncf %get3A_155 : vector<400x128xf32> to vector<400x128xbf16>
    %get3A_157 = arith.constant 11 : index
    %get3A_158 = arith.constant 0 : index
    %get3A_159 = arith.constant 0 : index
    %get3A_160 = vector.load %arg2[%get3A_157, %get3A_158, %get3A_159] : memref<27x128x128xbf16, #tpu.memory_space<vmem>>, vector<1x128x128xbf16>
    %get3A_161 = vector.shape_cast %get3A_160 : vector<1x128x128xbf16> to vector<128x128xbf16>
    %dot_general3A_162 = arith.constant dense<0.000000e+00> : vector<400x128xf32>
    %dot_general3A_163 = tpu.matmul %convert_element_type3A_156, %get3A_161, %dot_general3A_162 {dimension_numbers = #tpu.dot_dimension_numbers<[1], [0], [0], [1], [0, 0, 1, 1], [], []>, transpose_lhs_hint = false} : vector<400x128xbf16>, vector<128x128xbf16>, vector<400x128xf32> -> vector<400x128xf32>
    %add3A_164 = arith.addf %add3A_150, %dot_general3A_163 : vector<400x128xf32>
    %get3A_165 = arith.constant 12 : index
    %get3A_166 = arith.constant 0 : index
    %get3A_167 = arith.constant 0 : index
    %get3A_168 = vector.load %arg1[%get3A_165, %get3A_166, %get3A_167] : memref<27x400x128xf32, #tpu.memory_space<vmem>>, vector<1x400x128xf32>
    %get3A_169 = vector.shape_cast %get3A_168 : vector<1x400x128xf32> to vector<400x128xf32>
    %convert_element_type3A_170 = arith.truncf %get3A_169 : vector<400x128xf32> to vector<400x128xbf16>
    %get3A_171 = arith.constant 12 : index
    %get3A_172 = arith.constant 0 : index
    %get3A_173 = arith.constant 0 : index
    %get3A_174 = vector.load %arg2[%get3A_171, %get3A_172, %get3A_173] : memref<27x128x128xbf16, #tpu.memory_space<vmem>>, vector<1x128x128xbf16>
    %get3A_175 = vector.shape_cast %get3A_174 : vector<1x128x128xbf16> to vector<128x128xbf16>
    %dot_general3A_176 = arith.constant dense<0.000000e+00> : vector<400x128xf32>
    %dot_general3A_177 = tpu.matmul %convert_element_type3A_170, %get3A_175, %dot_general3A_176 {dimension_numbers = #tpu.dot_dimension_numbers<[1], [0], [0], [1], [0, 0, 1, 1], [], []>, transpose_lhs_hint = false} : vector<400x128xbf16>, vector<128x128xbf16>, vector<400x128xf32> -> vector<400x128xf32>
    %add3A_178 = arith.addf %add3A_164, %dot_general3A_177 : vector<400x128xf32>
    %get3A_179 = arith.constant 13 : index
    %get3A_180 = arith.constant 0 : index
    %get3A_181 = arith.constant 0 : index
    %get3A_182 = vector.load %arg1[%get3A_179, %get3A_180, %get3A_181] : memref<27x400x128xf32, #tpu.memory_space<vmem>>, vector<1x400x128xf32>
    %get3A_183 = vector.shape_cast %get3A_182 : vector<1x400x128xf32> to vector<400x128xf32>
    %convert_element_type3A_184 = arith.truncf %get3A_183 : vector<400x128xf32> to vector<400x128xbf16>
    %get3A_185 = arith.constant 13 : index
    %get3A_186 = arith.constant 0 : index
    %get3A_187 = arith.constant 0 : index
    %get3A_188 = vector.load %arg2[%get3A_185, %get3A_186, %get3A_187] : memref<27x128x128xbf16, #tpu.memory_space<vmem>>, vector<1x128x128xbf16>
    %get3A_189 = vector.shape_cast %get3A_188 : vector<1x128x128xbf16> to vector<128x128xbf16>
    %dot_general3A_190 = arith.constant dense<0.000000e+00> : vector<400x128xf32>
    %dot_general3A_191 = tpu.matmul %convert_element_type3A_184, %get3A_189, %dot_general3A_190 {dimension_numbers = #tpu.dot_dimension_numbers<[1], [0], [0], [1], [0, 0, 1, 1], [], []>, transpose_lhs_hint = false} : vector<400x128xbf16>, vector<128x128xbf16>, vector<400x128xf32> -> vector<400x128xf32>
    %add3A_192 = arith.addf %add3A_178, %dot_general3A_191 : vector<400x128xf32>
    %get3A_193 = arith.constant 14 : index
    %get3A_194 = arith.constant 0 : index
    %get3A_195 = arith.constant 0 : index
    %get3A_196 = vector.load %arg1[%get3A_193, %get3A_194, %get3A_195] : memref<27x400x128xf32, #tpu.memory_space<vmem>>, vector<1x400x128xf32>
    %get3A_197 = vector.shape_cast %get3A_196 : vector<1x400x128xf32> to vector<400x128xf32>
    %convert_element_type3A_198 = arith.truncf %get3A_197 : vector<400x128xf32> to vector<400x128xbf16>
    %get3A_199 = arith.constant 14 : index
    %get3A_200 = arith.constant 0 : index
    %get3A_201 = arith.constant 0 : index
    %get3A_202 = vector.load %arg2[%get3A_199, %get3A_200, %get3A_201] : memref<27x128x128xbf16, #tpu.memory_space<vmem>>, vector<1x128x128xbf16>
    %get3A_203 = vector.shape_cast %get3A_202 : vector<1x128x128xbf16> to vector<128x128xbf16>
    %dot_general3A_204 = arith.constant dense<0.000000e+00> : vector<400x128xf32>
    %dot_general3A_205 = tpu.matmul %convert_element_type3A_198, %get3A_203, %dot_general3A_204 {dimension_numbers = #tpu.dot_dimension_numbers<[1], [0], [0], [1], [0, 0, 1, 1], [], []>, transpose_lhs_hint = false} : vector<400x128xbf16>, vector<128x128xbf16>, vector<400x128xf32> -> vector<400x128xf32>
    %add3A_206 = arith.addf %add3A_192, %dot_general3A_205 : vector<400x128xf32>
    %get3A_207 = arith.constant 15 : index
    %get3A_208 = arith.constant 0 : index
    %get3A_209 = arith.constant 0 : index
    %get3A_210 = vector.load %arg1[%get3A_207, %get3A_208, %get3A_209] : memref<27x400x128xf32, #tpu.memory_space<vmem>>, vector<1x400x128xf32>
    %get3A_211 = vector.shape_cast %get3A_210 : vector<1x400x128xf32> to vector<400x128xf32>
    %convert_element_type3A_212 = arith.truncf %get3A_211 : vector<400x128xf32> to vector<400x128xbf16>
    %get3A_213 = arith.constant 15 : index
    %get3A_214 = arith.constant 0 : index
    %get3A_215 = arith.constant 0 : index
    %get3A_216 = vector.load %arg2[%get3A_213, %get3A_214, %get3A_215] : memref<27x128x128xbf16, #tpu.memory_space<vmem>>, vector<1x128x128xbf16>
    %get3A_217 = vector.shape_cast %get3A_216 : vector<1x128x128xbf16> to vector<128x128xbf16>
    %dot_general3A_218 = arith.constant dense<0.000000e+00> : vector<400x128xf32>
    %dot_general3A_219 = tpu.matmul %convert_element_type3A_212, %get3A_217, %dot_general3A_218 {dimension_numbers = #tpu.dot_dimension_numbers<[1], [0], [0], [1], [0, 0, 1, 1], [], []>, transpose_lhs_hint = false} : vector<400x128xbf16>, vector<128x128xbf16>, vector<400x128xf32> -> vector<400x128xf32>
    %add3A_220 = arith.addf %add3A_206, %dot_general3A_219 : vector<400x128xf32>
    %get3A_221 = arith.constant 16 : index
    %get3A_222 = arith.constant 0 : index
    %get3A_223 = arith.constant 0 : index
    %get3A_224 = vector.load %arg1[%get3A_221, %get3A_222, %get3A_223] : memref<27x400x128xf32, #tpu.memory_space<vmem>>, vector<1x400x128xf32>
    %get3A_225 = vector.shape_cast %get3A_224 : vector<1x400x128xf32> to vector<400x128xf32>
    %convert_element_type3A_226 = arith.truncf %get3A_225 : vector<400x128xf32> to vector<400x128xbf16>
    %get3A_227 = arith.constant 16 : index
    %get3A_228 = arith.constant 0 : index
    %get3A_229 = arith.constant 0 : index
    %get3A_230 = vector.load %arg2[%get3A_227, %get3A_228, %get3A_229] : memref<27x128x128xbf16, #tpu.memory_space<vmem>>, vector<1x128x128xbf16>
    %get3A_231 = vector.shape_cast %get3A_230 : vector<1x128x128xbf16> to vector<128x128xbf16>
    %dot_general3A_232 = arith.constant dense<0.000000e+00> : vector<400x128xf32>
    %dot_general3A_233 = tpu.matmul %convert_element_type3A_226, %get3A_231, %dot_general3A_232 {dimension_numbers = #tpu.dot_dimension_numbers<[1], [0], [0], [1], [0, 0, 1, 1], [], []>, transpose_lhs_hint = false} : vector<400x128xbf16>, vector<128x128xbf16>, vector<400x128xf32> -> vector<400x128xf32>
    %add3A_234 = arith.addf %add3A_220, %dot_general3A_233 : vector<400x128xf32>
    %get3A_235 = arith.constant 17 : index
    %get3A_236 = arith.constant 0 : index
    %get3A_237 = arith.constant 0 : index
    %get3A_238 = vector.load %arg1[%get3A_235, %get3A_236, %get3A_237] : memref<27x400x128xf32, #tpu.memory_space<vmem>>, vector<1x400x128xf32>
    %get3A_239 = vector.shape_cast %get3A_238 : vector<1x400x128xf32> to vector<400x128xf32>
    %convert_element_type3A_240 = arith.truncf %get3A_239 : vector<400x128xf32> to vector<400x128xbf16>
    %get3A_241 = arith.constant 17 : index
    %get3A_242 = arith.constant 0 : index
    %get3A_243 = arith.constant 0 : index
    %get3A_244 = vector.load %arg2[%get3A_241, %get3A_242, %get3A_243] : memref<27x128x128xbf16, #tpu.memory_space<vmem>>, vector<1x128x128xbf16>
    %get3A_245 = vector.shape_cast %get3A_244 : vector<1x128x128xbf16> to vector<128x128xbf16>
    %dot_general3A_246 = arith.constant dense<0.000000e+00> : vector<400x128xf32>
    %dot_general3A_247 = tpu.matmul %convert_element_type3A_240, %get3A_245, %dot_general3A_246 {dimension_numbers = #tpu.dot_dimension_numbers<[1], [0], [0], [1], [0, 0, 1, 1], [], []>, transpose_lhs_hint = false} : vector<400x128xbf16>, vector<128x128xbf16>, vector<400x128xf32> -> vector<400x128xf32>
    %add3A_248 = arith.addf %add3A_234, %dot_general3A_247 : vector<400x128xf32>
    %get3A_249 = arith.constant 18 : index
    %get3A_250 = arith.constant 0 : index
    %get3A_251 = arith.constant 0 : index
    %get3A_252 = vector.load %arg1[%get3A_249, %get3A_250, %get3A_251] : memref<27x400x128xf32, #tpu.memory_space<vmem>>, vector<1x400x128xf32>
    %get3A_253 = vector.shape_cast %get3A_252 : vector<1x400x128xf32> to vector<400x128xf32>
    %convert_element_type3A_254 = arith.truncf %get3A_253 : vector<400x128xf32> to vector<400x128xbf16>
    %get3A_255 = arith.constant 18 : index
    %get3A_256 = arith.constant 0 : index
    %get3A_257 = arith.constant 0 : index
    %get3A_258 = vector.load %arg2[%get3A_255, %get3A_256, %get3A_257] : memref<27x128x128xbf16, #tpu.memory_space<vmem>>, vector<1x128x128xbf16>
    %get3A_259 = vector.shape_cast %get3A_258 : vector<1x128x128xbf16> to vector<128x128xbf16>
    %dot_general3A_260 = arith.constant dense<0.000000e+00> : vector<400x128xf32>
    %dot_general3A_261 = tpu.matmul %convert_element_type3A_254, %get3A_259, %dot_general3A_260 {dimension_numbers = #tpu.dot_dimension_numbers<[1], [0], [0], [1], [0, 0, 1, 1], [], []>, transpose_lhs_hint = false} : vector<400x128xbf16>, vector<128x128xbf16>, vector<400x128xf32> -> vector<400x128xf32>
    %add3A_262 = arith.addf %add3A_248, %dot_general3A_261 : vector<400x128xf32>
    %get3A_263 = arith.constant 19 : index
    %get3A_264 = arith.constant 0 : index
    %get3A_265 = arith.constant 0 : index
    %get3A_266 = vector.load %arg1[%get3A_263, %get3A_264, %get3A_265] : memref<27x400x128xf32, #tpu.memory_space<vmem>>, vector<1x400x128xf32>
    %get3A_267 = vector.shape_cast %get3A_266 : vector<1x400x128xf32> to vector<400x128xf32>
    %convert_element_type3A_268 = arith.truncf %get3A_267 : vector<400x128xf32> to vector<400x128xbf16>
    %get3A_269 = arith.constant 19 : index
    %get3A_270 = arith.constant 0 : index
    %get3A_271 = arith.constant 0 : index
    %get3A_272 = vector.load %arg2[%get3A_269, %get3A_270, %get3A_271] : memref<27x128x128xbf16, #tpu.memory_space<vmem>>, vector<1x128x128xbf16>
    %get3A_273 = vector.shape_cast %get3A_272 : vector<1x128x128xbf16> to vector<128x128xbf16>
    %dot_general3A_274 = arith.constant dense<0.000000e+00> : vector<400x128xf32>
    %dot_general3A_275 = tpu.matmul %convert_element_type3A_268, %get3A_273, %dot_general3A_274 {dimension_numbers = #tpu.dot_dimension_numbers<[1], [0], [0], [1], [0, 0, 1, 1], [], []>, transpose_lhs_hint = false} : vector<400x128xbf16>, vector<128x128xbf16>, vector<400x128xf32> -> vector<400x128xf32>
    %add3A_276 = arith.addf %add3A_262, %dot_general3A_275 : vector<400x128xf32>
    %get3A_277 = arith.constant 20 : index
    %get3A_278 = arith.constant 0 : index
    %get3A_279 = arith.constant 0 : index
    %get3A_280 = vector.load %arg1[%get3A_277, %get3A_278, %get3A_279] : memref<27x400x128xf32, #tpu.memory_space<vmem>>, vector<1x400x128xf32>
    %get3A_281 = vector.shape_cast %get3A_280 : vector<1x400x128xf32> to vector<400x128xf32>
    %convert_element_type3A_282 = arith.truncf %get3A_281 : vector<400x128xf32> to vector<400x128xbf16>
    %get3A_283 = arith.constant 20 : index
    %get3A_284 = arith.constant 0 : index
    %get3A_285 = arith.constant 0 : index
    %get3A_286 = vector.load %arg2[%get3A_283, %get3A_284, %get3A_285] : memref<27x128x128xbf16, #tpu.memory_space<vmem>>, vector<1x128x128xbf16>
    %get3A_287 = vector.shape_cast %get3A_286 : vector<1x128x128xbf16> to vector<128x128xbf16>
    %dot_general3A_288 = arith.constant dense<0.000000e+00> : vector<400x128xf32>
    %dot_general3A_289 = tpu.matmul %convert_element_type3A_282, %get3A_287, %dot_general3A_288 {dimension_numbers = #tpu.dot_dimension_numbers<[1], [0], [0], [1], [0, 0, 1, 1], [], []>, transpose_lhs_hint = false} : vector<400x128xbf16>, vector<128x128xbf16>, vector<400x128xf32> -> vector<400x128xf32>
    %add3A_290 = arith.addf %add3A_276, %dot_general3A_289 : vector<400x128xf32>
    %get3A_291 = arith.constant 21 : index
    %get3A_292 = arith.constant 0 : index
    %get3A_293 = arith.constant 0 : index
    %get3A_294 = vector.load %arg1[%get3A_291, %get3A_292, %get3A_293] : memref<27x400x128xf32, #tpu.memory_space<vmem>>, vector<1x400x128xf32>
    %get3A_295 = vector.shape_cast %get3A_294 : vector<1x400x128xf32> to vector<400x128xf32>
    %convert_element_type3A_296 = arith.truncf %get3A_295 : vector<400x128xf32> to vector<400x128xbf16>
    %get3A_297 = arith.constant 21 : index
    %get3A_298 = arith.constant 0 : index
    %get3A_299 = arith.constant 0 : index
    %get3A_300 = vector.load %arg2[%get3A_297, %get3A_298, %get3A_299] : memref<27x128x128xbf16, #tpu.memory_space<vmem>>, vector<1x128x128xbf16>
    %get3A_301 = vector.shape_cast %get3A_300 : vector<1x128x128xbf16> to vector<128x128xbf16>
    %dot_general3A_302 = arith.constant dense<0.000000e+00> : vector<400x128xf32>
    %dot_general3A_303 = tpu.matmul %convert_element_type3A_296, %get3A_301, %dot_general3A_302 {dimension_numbers = #tpu.dot_dimension_numbers<[1], [0], [0], [1], [0, 0, 1, 1], [], []>, transpose_lhs_hint = false} : vector<400x128xbf16>, vector<128x128xbf16>, vector<400x128xf32> -> vector<400x128xf32>
    %add3A_304 = arith.addf %add3A_290, %dot_general3A_303 : vector<400x128xf32>
    %get3A_305 = arith.constant 22 : index
    %get3A_306 = arith.constant 0 : index
    %get3A_307 = arith.constant 0 : index
    %get3A_308 = vector.load %arg1[%get3A_305, %get3A_306, %get3A_307] : memref<27x400x128xf32, #tpu.memory_space<vmem>>, vector<1x400x128xf32>
    %get3A_309 = vector.shape_cast %get3A_308 : vector<1x400x128xf32> to vector<400x128xf32>
    %convert_element_type3A_310 = arith.truncf %get3A_309 : vector<400x128xf32> to vector<400x128xbf16>
    %get3A_311 = arith.constant 22 : index
    %get3A_312 = arith.constant 0 : index
    %get3A_313 = arith.constant 0 : index
    %get3A_314 = vector.load %arg2[%get3A_311, %get3A_312, %get3A_313] : memref<27x128x128xbf16, #tpu.memory_space<vmem>>, vector<1x128x128xbf16>
    %get3A_315 = vector.shape_cast %get3A_314 : vector<1x128x128xbf16> to vector<128x128xbf16>
    %dot_general3A_316 = arith.constant dense<0.000000e+00> : vector<400x128xf32>
    %dot_general3A_317 = tpu.matmul %convert_element_type3A_310, %get3A_315, %dot_general3A_316 {dimension_numbers = #tpu.dot_dimension_numbers<[1], [0], [0], [1], [0, 0, 1, 1], [], []>, transpose_lhs_hint = false} : vector<400x128xbf16>, vector<128x128xbf16>, vector<400x128xf32> -> vector<400x128xf32>
    %add3A_318 = arith.addf %add3A_304, %dot_general3A_317 : vector<400x128xf32>
    %get3A_319 = arith.constant 23 : index
    %get3A_320 = arith.constant 0 : index
    %get3A_321 = arith.constant 0 : index
    %get3A_322 = vector.load %arg1[%get3A_319, %get3A_320, %get3A_321] : memref<27x400x128xf32, #tpu.memory_space<vmem>>, vector<1x400x128xf32>
    %get3A_323 = vector.shape_cast %get3A_322 : vector<1x400x128xf32> to vector<400x128xf32>
    %convert_element_type3A_324 = arith.truncf %get3A_323 : vector<400x128xf32> to vector<400x128xbf16>
    %get3A_325 = arith.constant 23 : index
    %get3A_326 = arith.constant 0 : index
    %get3A_327 = arith.constant 0 : index
    %get3A_328 = vector.load %arg2[%get3A_325, %get3A_326, %get3A_327] : memref<27x128x128xbf16, #tpu.memory_space<vmem>>, vector<1x128x128xbf16>
    %get3A_329 = vector.shape_cast %get3A_328 : vector<1x128x128xbf16> to vector<128x128xbf16>
    %dot_general3A_330 = arith.constant dense<0.000000e+00> : vector<400x128xf32>
    %dot_general3A_331 = tpu.matmul %convert_element_type3A_324, %get3A_329, %dot_general3A_330 {dimension_numbers = #tpu.dot_dimension_numbers<[1], [0], [0], [1], [0, 0, 1, 1], [], []>, transpose_lhs_hint = false} : vector<400x128xbf16>, vector<128x128xbf16>, vector<400x128xf32> -> vector<400x128xf32>
    %add3A_332 = arith.addf %add3A_318, %dot_general3A_331 : vector<400x128xf32>
    %get3A_333 = arith.constant 24 : index
    %get3A_334 = arith.constant 0 : index
    %get3A_335 = arith.constant 0 : index
    %get3A_336 = vector.load %arg1[%get3A_333, %get3A_334, %get3A_335] : memref<27x400x128xf32, #tpu.memory_space<vmem>>, vector<1x400x128xf32>
    %get3A_337 = vector.shape_cast %get3A_336 : vector<1x400x128xf32> to vector<400x128xf32>
    %convert_element_type3A_338 = arith.truncf %get3A_337 : vector<400x128xf32> to vector<400x128xbf16>
    %get3A_339 = arith.constant 24 : index
    %get3A_340 = arith.constant 0 : index
    %get3A_341 = arith.constant 0 : index
    %get3A_342 = vector.load %arg2[%get3A_339, %get3A_340, %get3A_341] : memref<27x128x128xbf16, #tpu.memory_space<vmem>>, vector<1x128x128xbf16>
    %get3A_343 = vector.shape_cast %get3A_342 : vector<1x128x128xbf16> to vector<128x128xbf16>
    %dot_general3A_344 = arith.constant dense<0.000000e+00> : vector<400x128xf32>
    %dot_general3A_345 = tpu.matmul %convert_element_type3A_338, %get3A_343, %dot_general3A_344 {dimension_numbers = #tpu.dot_dimension_numbers<[1], [0], [0], [1], [0, 0, 1, 1], [], []>, transpose_lhs_hint = false} : vector<400x128xbf16>, vector<128x128xbf16>, vector<400x128xf32> -> vector<400x128xf32>
    %add3A_346 = arith.addf %add3A_332, %dot_general3A_345 : vector<400x128xf32>
    %get3A_347 = arith.constant 25 : index
    %get3A_348 = arith.constant 0 : index
    %get3A_349 = arith.constant 0 : index
    %get3A_350 = vector.load %arg1[%get3A_347, %get3A_348, %get3A_349] : memref<27x400x128xf32, #tpu.memory_space<vmem>>, vector<1x400x128xf32>
    %get3A_351 = vector.shape_cast %get3A_350 : vector<1x400x128xf32> to vector<400x128xf32>
    %convert_element_type3A_352 = arith.truncf %get3A_351 : vector<400x128xf32> to vector<400x128xbf16>
    %get3A_353 = arith.constant 25 : index
    %get3A_354 = arith.constant 0 : index
    %get3A_355 = arith.constant 0 : index
    %get3A_356 = vector.load %arg2[%get3A_353, %get3A_354, %get3A_355] : memref<27x128x128xbf16, #tpu.memory_space<vmem>>, vector<1x128x128xbf16>
    %get3A_357 = vector.shape_cast %get3A_356 : vector<1x128x128xbf16> to vector<128x128xbf16>
    %dot_general3A_358 = arith.constant dense<0.000000e+00> : vector<400x128xf32>
    %dot_general3A_359 = tpu.matmul %convert_element_type3A_352, %get3A_357, %dot_general3A_358 {dimension_numbers = #tpu.dot_dimension_numbers<[1], [0], [0], [1], [0, 0, 1, 1], [], []>, transpose_lhs_hint = false} : vector<400x128xbf16>, vector<128x128xbf16>, vector<400x128xf32> -> vector<400x128xf32>
    %add3A_360 = arith.addf %add3A_346, %dot_general3A_359 : vector<400x128xf32>
    %get3A_361 = arith.constant 26 : index
    %get3A_362 = arith.constant 0 : index
    %get3A_363 = arith.constant 0 : index
    %get3A_364 = vector.load %arg1[%get3A_361, %get3A_362, %get3A_363] : memref<27x400x128xf32, #tpu.memory_space<vmem>>, vector<1x400x128xf32>
    %get3A_365 = vector.shape_cast %get3A_364 : vector<1x400x128xf32> to vector<400x128xf32>
    %convert_element_type3A_366 = arith.truncf %get3A_365 : vector<400x128xf32> to vector<400x128xbf16>
    %get3A_367 = arith.constant 26 : index
    %get3A_368 = arith.constant 0 : index
    %get3A_369 = arith.constant 0 : index
    %get3A_370 = vector.load %arg2[%get3A_367, %get3A_368, %get3A_369] : memref<27x128x128xbf16, #tpu.memory_space<vmem>>, vector<1x128x128xbf16>
    %get3A_371 = vector.shape_cast %get3A_370 : vector<1x128x128xbf16> to vector<128x128xbf16>
    %dot_general3A_372 = arith.constant dense<0.000000e+00> : vector<400x128xf32>
    %dot_general3A_373 = tpu.matmul %convert_element_type3A_366, %get3A_371, %dot_general3A_372 {dimension_numbers = #tpu.dot_dimension_numbers<[1], [0], [0], [1], [0, 0, 1, 1], [], []>, transpose_lhs_hint = false} : vector<400x128xbf16>, vector<128x128xbf16>, vector<400x128xf32> -> vector<400x128xf32>
    %add3A_374 = arith.addf %add3A_360, %dot_general3A_373 : vector<400x128xf32>
    %swap3A = arith.constant 0 : index
    %swap3A_375 = arith.constant 0 : index
    %swap3A_376 = vector.load %arg3[%swap3A, %swap3A_375] : memref<400x128xf32, #tpu.memory_space<vmem>>, vector<400x128xf32>
    tpu.vector_store %arg3[%swap3A, %swap3A_375], %add3A_374 {strides = array<i32>} : memref<400x128xf32, #tpu.memory_space<vmem>>, vector<400x128xf32>,
    return
  }
  func.func @transform_0(%arg0: i32) -> (i32, i32, i32) {
    %c0_i32 = arith.constant 0 : i32
    %c0_i32_0 = arith.constant 0 : i32
    %c0_i32_1 = arith.constant 0 : i32
    return %c0_i32, %arg0, %c0_i32_0 : i32, i32, i32
  }
  func.func @transform_1(%arg0: i32) -> (i32, i32, i32) {
    %c0_i32 = arith.constant 0 : i32
    %c0_i32_0 = arith.constant 0 : i32
    %c0_i32_1 = arith.constant 0 : i32
    %c0_i32_2 = arith.constant 0 : i32
    return %c0_i32, %c0_i32_0, %c0_i32_1 : i32, i32, i32
  }
  func.func @transform_2(%arg0: i32) -> (i32, i32) {
    %c0_i32 = arith.constant 0 : i32
    %c0_i32_0 = arith.constant 0 : i32
    return %arg0, %c0_i32 : i32, i32
  }
}

</mosaic_0001>

<sc_bundles>
// kernel: kernel.4.cloned.1.call-start
scs
__scs_entry_jumppad:
0x0: {  	(pc) =	sbr.rel $0x88, $3  }
0x1: {  	(tag) =	ssettag $0x0;
	lr =	simm.s32 $0x1  }
0x2: {  	[smem:$0x3F9E] =	sst lr;
	_ =	strace $0xD0000000  }
0x3: {  	_ = 	snop  }
0x4: {  	_ = 	snop  }
0x5: {  	_ = 	snop  }
0x6: {  	_ = 	snop  }
0x7: {  	_ = 	snop  }
__scs_overlays_trampoline_lowered:
0x8: {  	[smem:$0x3FAD] =	sst s0  }
0x9: {  	[smem:$0x3FAE] =	sst s1  }
0xa: {  	[smem:$0x3FAF] =	sst s2  }
0xb: {  	[smem:$0x3FB0] =	sst s3  }
0xc: {  	[smem:$0x3FB1] =	sst s4  }
0xd: {  	[smem:$0x3FB2] =	sst s5  }
0xe: {  	[smem:$0x3FB3] =	sst s6  }
0xf: {  	[smem:$0x3FB4] =	sst s7  }
0x10: {  	[smem:$0x3FB5] =	sst s8  }
0x11: {  	[smem:$0x3FB6] =	sst s9;
	s0 =	simm.s32 @!p0 $0x0  }
0x12: {  	s1 =	sld [smem:$0x3F9C];
	s0 =	simm.s32 @p0 $0x1  }
0x13: {  	[smem:$0x3FB7] =	sst s0;
	s0 =	simm.s32 @!p1 $0x0  }
0x14: {  	s2 =	sld [smem:$0x3F9B];
	s0 =	simm.s32 @p1 $0x1  }
0x15: {  	[smem:$0x3FB8] =	sst s0;
	s0 =	simm.s32 @!p2 $0x0  }
0x16: {  	s3 =	sld [smem:$0x3FDB];
	s0 =	simm.s32 @p2 $0x1  }
0x17: {  	s4 =	simm.s32 $0x1BF5;
	[smem:$0x3FBA] =	sst s0  }
0x18: {  	s0 =	sld [smem:$0x3F9D];
	_ =	swait.ge [sflag:s4], $0x0  }
0x19: {  	s7 =	sld [smem:$0x3F9E]  }
0x1a: {  	s8 =	sadd.s32 $0xFFFFE003, lr  }
0x1b: {  	s9 =	sadd.s32 $0xFFFFFEF7, lr;
	s5 =	simm.s32 $0xFFFFFFFF;
	p2 =	slt.u32 s8, $0xFFFFF086  }
0x1c: {  	p1 =	slt.u32 s9, $0xF7A;
	s5 =	simm.s32 @!p2 $0x0  }
0x1d: {  	s5 =	simm.s32 @p1 $0x1;
	p0 =	seq.s32 s7, s2  }
0x1e: {  	s7 =	smul.u32 @!p0 $0xF7A, s2;
	p2 =	seq.s32 @!p0 s5, $0x0  }
0x1f: {  	s9 =	smul.u32 $0xF7A, s1;
	s8 =	simm.s32 @!p0 $0x1BF5;
	p2 =	por !p2, p0  }
0x20: {  	[sflag:s8] =	ssyncset.s32 @!p0 $0xFFFFF086;
	s6 =	sadd.s32 @!p0 s3, s7;
	s7 =	simm.s32 @!p0 $0x108  }
0x21: {  	s3 =	sadd.s32 s3, s9;
	s6 =	sadd.s32 @!p0 $0x88, s6;
	s7 =	simm.s32 @p2 $0x1082  }
0x22: {  	[simem:s7], [sflag:s8] =	dma.local @!p0 [hbm:s6], $0xF7A  }
0x23: {  	s9 =	sor.u32 $0xD0000000, s2;
	s6 =	simm.s32 $0x108;
	_ =	swait.ge @!p0 [sflag:s8], $0x0  }
0x24: {  	s3 =	sadd.s32 $0x88, s3;
	s6 =	simm.s32 @!p1 $0x1082;
	[sflag:s4] =	ssyncset.s32 $0xFFFFF086  }
0x25: {  	[simem:s6], [sflag:s4] =	dma.local [hbm:s3], $0xF7A  }
0x26: {  	[smem:$0x3F9E] =	sst s1;
	(tag) =	ssettag s2;
	_ =	strace s9  }
0x27: {  	s1 =	sld [smem:$0x3FAE]  }
0x28: {  	s2 =	sld [smem:$0x3FAF]  }
0x29: {  	s4 =	sld [smem:$0x3FB1]  }
0x2a: {  	p0 =	seq.s32 s5, $0x0;
	s5 =	sld [smem:$0x3FB2]  }
0x2b: {  	s6 =	sld [smem:$0x3FB3]  }
0x2c: {  	s7 =	sld [smem:$0x3FB4]  }
0x2d: {  	s3 =	simm.s32 $0x108;
	s8 =	sld [smem:$0x3FB5]  }
0x2e: {  	s3 =	simm.s32 @!p0 $0x1082;
	s9 =	sld [smem:$0x3FB6]  }
0x2f: {  	lr =	sadd.s32 s0, s3;
	s0 =	sld [smem:$0x3FAD]  }
0x30: {  	s3 =	sld [smem:$0x3FB0]  }
0x31: {  	[smem:$0x3FB9] =	sst s10  }
0x32: {  	s10 =	sld [smem:$0x3FB7];
	_ =	sdelay $0x3  }
0x33: {  	p0 =	seq.s32 s10, $0x1;
	s10 =	sld [smem:$0x3FB9];
	_ =	sdelay $0x3  }
0x34: {  	[smem:$0x3FB9] =	sst s10  }
0x35: {  	s10 =	sld [smem:$0x3FB8];
	_ =	sdelay $0x3  }
0x36: {  	p1 =	seq.s32 s10, $0x1;
	s10 =	sld [smem:$0x3FB9];
	_ =	sdelay $0x3  }
0x37: {  	[smem:$0x3FB9] =	sst s10  }
0x38: {  	s10 =	sld [smem:$0x3FBA]  }
0x39: {  	_ = 	snop;
	(pc) =	sbr.ind lr, $3  }
0x3a: {  	_ = 	snop  }
0x3b: {  	_ = 	snop  }
0x3c: {  	p2 =	seq.s32 s10, $0x1;
	s10 =	sld [smem:$0x3FB9]  }
0x3d: {  	_ =	shalt  }
0x3e: {  	_ =	shalt  }
0x3f: {  	_ =	shalt  }
0x40: {  	_ =	shalt  }
0x41: {  	_ =	shalt  }
0x42: {  	_ =	shalt  }
0x43: {  	_ =	shalt  }
0x44: {  	_ =	shalt  }
0x45: {  	_ =	shalt  }
0x46: {  	_ =	shalt  }
0x47: {  	_ =	shalt  }
0x48: {  	_ =	shalt  }
0x49: {  	_ =	shalt  }
0x4a: {  	_ =	shalt  }
0x4b: {  	_ =	shalt  }
0x4c: {  	_ =	shalt  }
0x4d: {  	_ =	shalt  }
0x4e: {  	_ =	shalt  }
0x4f: {  	_ =	shalt  }
0x50: {  	_ =	shalt  }
0x51: {  	_ =	shalt  }
0x52: {  	_ =	shalt  }
0x53: {  	_ =	shalt  }
0x54: {  	_ =	shalt  }
0x55: {  	_ =	shalt  }
0x56: {  	_ =	shalt  }
0x57: {  	_ =	shalt  }
0x58: {  	_ =	shalt  }
0x59: {  	_ =	shalt  }
0x5a: {  	_ =	shalt  }
0x5b: {  	_ =	shalt  }
0x5c: {  	_ =	shalt  }
0x5d: {  	_ =	shalt  }
0x5e: {  	_ =	shalt  }
0x5f: {  	_ =	shalt  }
0x60: {  	_ =	shalt  }
0x61: {  	_ =	shalt  }
0x62: {  	_ =	shalt  }
0x63: {  	_ =	shalt  }
0x64: {  	_ =	shalt  }
0x65: {  	_ =	shalt  }
0x66: {  	_ =	shalt  }
0x67: {  	_ =	shalt  }
0x68: {  	_ =	shalt  }
0x69: {  	_ =	shalt  }
0x6a: {  	_ =	shalt  }
0x6b: {  	_ =	shalt  }
0x6c: {  	_ =	shalt  }
0x6d: {  	_ =	shalt  }
0x6e: {  	_ =	shalt  }
0x6f: {  	_ =	shalt  }
0x70: {  	_ =	shalt  }
0x71: {  	_ =	shalt  }
0x72: {  	_ =	shalt  }
0x73: {  	_ =	shalt  }
0x74: {  	_ =	shalt  }
0x75: {  	_ =	shalt  }
0x76: {  	_ =	shalt  }
0x77: {  	_ =	shalt  }
0x78: {  	_ =	shalt  }
0x79: {  	_ =	shalt  }
0x7a: {  	_ =	shalt  }
0x7b: {  	_ =	shalt  }
0x7c: {  	_ =	shalt  }
0x7d: {  	_ =	shalt  }
0x7e: {  	_ =	shalt  }
0x7f: {  	_ =	shalt  }
0x80: {  	_ =	shalt  }
0x81: {  	_ =	shalt  }
0x82: {  	_ =	shalt  }
0x83: {  	_ =	shalt  }
0x84: {  	_ =	shalt  }
0x85: {  	_ =	shalt  }
0x86: {  	_ =	shalt  }
0x87: {  	_ =	shalt  }
.Lfunc_end0:
.L_simem_size_0:
called_computation_lowered:
.L_overlay_start_0:
0x88: {  	s2 =	sld [smem:$0x3FD9]  }
0x89: {  	s3 =	sld [smem:$0x3FFE];
	_ =	sdelay $0x1  }
0x8a: {  	s1 =	srdreg.scid  }
0x8b: {  	s0 =	sand.u32 $0x1, s1  }
0x8c: {  	s17 =	sshll.u32 s0, $0xA;
	s2 =	sadd.s32 s3, s2  }
0x8d: {  	s2 =	sadd.s32 s2, s17  }
0x8e: {  	[smem:$0x3FC5] =	sst s2  }
0x8f: {  	_ = 	snop  }
0x90: {  	s2 =	sld [smem:$0x3FD0];
	(tm) =	ssettm $0x1  }
0x91: {  	s18 =	sld [smem:$0x3FFB];
	_ =	sdelay $0x3  }
0x92: {  	_ =	strace s18  }
0x93: {  	s3 =	sld [smem:$0x3FFC];
	_ =	sdelay $0x3  }
0x94: {  	_ =	strace s3  }
0x95: {  	s3 =	sld [smem:$0x3FFD];
	_ =	sdelay $0x3  }
0x96: {  	_ =	strace s3  }
0x97: {  	_ =	strace $0x8FFFFFFF  }
0x98: {  	s19 =	sld [smem:$0x3FDB];
	_ =	sdelay $0x1  }
0x99: {  	s4 =	simm.s32 $_scs_section_size  }
0x9a: {  	s5 =	simm.s32 $_size__tile_overlayer_lowered;
	s6 =	simm.s32 $_tile_overlayer_lowered  }
0x9b: {  	s22 =	simm.s32 $0x1BFF;
	s21 =	sshll.u32 s6, $0x1;
	s3 =	sadd.s32 s4, s19  }
0x9c: {  	s7 =	simm.s32 $0x0;
	s20 =	sshll.u32 s5, $0x1;
	s5 =	sadd.s32 s21, s3  }
0x9d: {  	[timem:s7], [sflag:s22] =	dma.local [hbm:s5], s20  }
0x9e: {  	_ =	swait.ge [sflag:s22], s20  }
0x9f: {  	s4 =	ssub.s32 $0x0, s20;
	[sflag:s22] =	ssyncset.done $0x0  }
0xa0: {  	[sflag:s22] =	ssyncadd.s32 s4;
	_ =	sdelay $0x1  }
0xa1: {  	s23 =	simm.s32 $0x1B8B  }
0xa2: {  	_ =	swait.ge [sflag:s23], $0x1  }
0xa3: {  	[sflag:s23] =	ssyncset.done $0x0  }
0xa4: {  	s25 =	simm.s32 $0x1B8E;
	s24 =	sld [smem:$0x3FFE];
	[sflag:s23] =	ssyncadd.s32 $0xFFFFFFFF  }
0xa5: {  	s26 =	simm.s32 $execute0_lowered;
	[smem:$0x3FD2] =	sst s25  }
0xa6: {  	s5 =	sshll.u32 s26, $0x1;
	_ =	strace $0x80000046;
	[dreg:$0x1] =	wrdreg $0xFFFFFFFF  }
0xa7: {  	s28 =	simm.s32 $_size_execute0_lowered;
	s3 =	sadd.s32 s3, s5;
	[dreg:$0x0] =	wrdreg $0x0  }
0xa8: {  	s5 =	sshll.u32 s28, $0x1;
	[dreg:$0x2] =	wrdreg s3  }
0xa9: {  	[dreg:$0x3] =	wrdreg s5  }
0xaa: {  	[dreg:$0x4] =	wrdreg $0xC0  }
0xab: {  	_ =	task [dreg:s7], $0x5FFFF  }
0xac: {  	[dreg:$0x1] =	wrdreg $0xFFFFFFFF  }
0xad: {  	[dreg:$0x0] =	wrdreg $0x60  }
0xae: {  	[dreg:$0x2] =	wrdreg s2  }
0xaf: {  	[dreg:$0x3] =	wrdreg s24  }
0xb0: {  	[dreg:$0x4] =	wrdreg $0x9  }
0xb1: {  	_ =	task.clear_ibuf [dreg:s7], $0x5FFFF;
	_ =	strace $0x90000046  }
0xb2: {  	s29 =	simm.s32 $0x9;
	_ =	strace $0x80000048  }
0xb3: {  	_ =	swait.ge [sflag:s29], $0x1  }
0xb4: {  	[sflag:s29] =	ssyncadd.s32 $0xFFFFFFFF  }
0xb5: {  	_ =	strace $0x90000048  }
0xb6: {  	_ =	sfence  }
0xb7: {  	s30 =	sld [smem:$0x0];
	_ =	sdelay $0x2  }
0xb8: {  	s31 =	sshll.u32 s1, $0xD;
	s1 =	sshrl.u32 s1, $0x2  }
0xb9: {  	s3 =	sand.u32 $0x4000, s31;
	s1 =	sadd.s32 s1, s30  }
0xba: {  	s0 =	sor.u32 s3, s0;
	s1 =	sshll.u32 s1, $0x11  }
0xbb: {  	s0 =	sor.u32 s1, s0  }
0xbc: {  	s0 =	sadd.s32 $0x8F2B, s0  }
0xbd: {  	[sflag:s0] =	ssyncadd.remote.s32 $0x1  }
0xbe: {  	_ =	sfence.sel $0xFFFF  }
0xbf: {  	[dreg:$0x0] =	wrdreg $0xFFFFFFFF;
	(pc) =	sbr.abs _section_cstart, $3  }
0xc0: {  	[dreg:$0x1] =	wrdreg $0xFFFFFFFF  }
0xc1: {  	_ =	task.clear_ibuf [dreg:s7], $0x2FFFF;
	_ =	strace $0x9FFFFFFF  }
0xc2: {  	(tm) =	ssettm $0x7FFFFFFF  }
0xc3: {  	_ =	shalt  }
tec
execute0_lowered:
.L_overlay_start_1:
0x0: {  	(tag) =	ssettag $0x1  }
0x1: {  	s4 =	rddreg [dreg:$0x0]  }
0x2: {  	s5 =	rddreg [dreg:$0x1];
	s1 =	stileid.u32  }
0x3: {  	s2 =	srdreg.scid;
	s0 =	rddreg [dreg:$0x2];
	s13 =	simm.s32 $0x16400  }
0x4: {  	s14 =	simm.s32 $0x2;
	s15 =	simm.s32 $0x6400;
	s16 =	simm.s32 $0x3  }
0x5: {  	s17 =	simm.s32 $0xA400;
	s18 =	simm.s32 $0x8;
	s19 =	simm.s32 $0x4  }
0x6: {  	s20 =	simm.s32 $0xE400;
	s21 =	simm.s32 $0x9;
	s22 =	simm.s32 $0x5  }
0x7: {  	s23 =	simm.s32 $0xA;
	s24 =	simm.s32 $0x6;
	s7 =	smul.u32 $0x48000, s1  }
0x8: {  	s6 =	sand.u32 $0x1, s2;
	s3 =	sshll.u32 s1, $0x1;
	s9 =	smul.u32 $0x90, s1  }
0x9: {  	s2 =	simm.s32 $0x0;
	p0 =	seq.s32 s1, $0xF;
	s11 =	smul.u32 $0x48, s6  }
0xa: {  	s25 =	sor.u32 s6, s3;
	[smem:$0x7FF] =	sst s2;
	s12 =	smul.u32 $0x24000, s6  }
0xb: {  	s3 =	sadd.s32 $0x800, s5;
	s10 =	ssub.s32 $0x2, s6;
	s8 =	smul.u32 $0x480, s25  }
0xc: {  	_ =	strace $0x80000047;
	s7 =	sadd.s32 s7, s5;
	s30 =	sshrl.u32 s10, $0x1  }
.Ltmp0:
0xd: {  	p1 =	sgt.u32 s25, $0x1C;
	s25 =	simm.s32 $0x0;
	(pc) =	sbr.rel .LBB2_1-.Ltmp0, $4  }
0xe: {  	s5 =	ssub.s32 s10, s30;
	s31 =	sadd.s32 s11, s9;
	s7 =	sadd.s32 s12, s7  }
0xf: {  	s9 =	simm.s32 $0x80;
	s10 =	simm.s32 $0x12400;
	s11 =	simm.s32 $0x1  }
0x10: {  	s12 =	simm.s32 $0x2400;
	s4 =	sadd.s32 s4, s8;
	s5 =	smax.u32 s5, $0x1  }
0x11: {  	s6 =	sor.u32 $0x2, s31;
	s7 =	sadd.s32 $0x13A800, s7;
	s8 =	simm.s32 $0xD  }
.LBB2_30:
0x12: {  	s26 =	simm.s32 @!p1 $0xB;
	s25 =	sadd.s32 $0x1, s25  }
0x13: {  	_ =	swait.ge @!p1 [sflag:s26], $0x4000;
	p2 =	sne.s32 s25, s5  }
.Ltmp1:
0x14: {  	[sflag:s26] =	ssyncset.done @!p1 $0x0;
	(pc) =	sbr.rel @!p2 .LBB2_31-.Ltmp1, $4  }
0x15: {  	[sflag:s26] =	ssyncadd.s32 @!p1 $0xFFFFC000;
	s26 =	simm.s32 @!p1 $0xC  }
0x16: {  	_ =	swait.ge @!p1 [sflag:s26], $0x4000  }
0x17: {  	[sflag:s26] =	ssyncset.done @!p1 $0x0  }
0x18: {  	[sflag:s26] =	ssyncadd.s32 @!p1 $0xFFFFC000  }
.LBB2_1:
0x19: {  	[tilespmem:s2], [sflag:$0xD] =	stream.linear.gather [hbm4b:s4+s2], $0x2400, $0x38;
	[tilespmem:$0x1A400] =	vst v63  }
0x1a: {  	_ =	swait.ge [sflag:s8], $0x2400  }
0x1b: {  	s26 =	simm.s32 @!p0 $0x80;
	[sflag:s8] =	ssyncset.done $0x0  }
0x1c: {  	s28 =	simm.s32 @!p0 $0x0;
	s29 =	simm.s32 @!p0 $0x2400;
	[sflag:s8] =	ssyncadd.s32 $0xFFFFDC00  }
0x1d: {  	[tilespmem:s29], [sflag:$0x1] =	stream.indirect.gather @!p0 [hbm4b:s3+s26], $0x80, s28, s26, $0xb8;
	[tilespmem:$0x1A400] =	vst v63  }
0x1e: {  	s28 =	simm.s32 @!p0 $0x6400  }
0x1f: {  	[tilespmem:s28], [sflag:$0x2] =	stream.indirect.gather @!p0 [hbm4b:s3+s26], $0x80, s26, s26, $0xb8;
	[tilespmem:$0x1A400] =	vst v63  }
.Ltmp2:
0x20: {  	s29 =	simm.s32 @!p0 $0xA400;
	s28 =	simm.s32 @!p0 $0x100;
	(pc) =	sbr.rel .LBB2_2-.Ltmp2, $4  }
0x21: {  	[tilespmem:s29], [sflag:$0x3] =	stream.indirect.gather @!p0 [hbm4b:s3+s26], $0x80, s28, s26, $0xb8;
	[tilespmem:$0x1A400] =	vst v63  }
0x22: {  	s28 =	simm.s32 @!p0 $0x180;
	s29 =	simm.s32 @!p0 $0xE400  }
0x23: {  	[tilespmem:s29], [sflag:$0x4] =	stream.indirect.gather @!p0 [hbm4b:s3+s26], $0x80, s28, s26, $0xb8;
	[tilespmem:$0x1A400] =	vst v63  }
0x24: {  	s26 =	smov.u32 s7;
	s28 =	smov.u32 s6;
	s29 =	simm.s32 $0x0  }
.LBB2_26:
0x25: {  	s30 =	sshra.s32 s29, $0x2  }
0x26: {  	s30 =	sadd.s32 $0x480, s30  }
0x27: {  	[tilespmem:s20], [sflag:$0x4] =	stream.indirect.gather [hbm4b:s3+s9], $0x80, s30, s9, $0xb8;
	[tilespmem:$0x1A400] =	vst v63  }
.LBB2_28:
0x28: {  	_ =	swait.ge [sflag:s24], $0x4000  }
0x29: {  	[sflag:s24] =	ssyncset.done $0x0  }
0x2a: {  	s30 =	sadd.s32 $0x1000, s26;
	[sflag:s24] =	ssyncadd.s32 $0xFFFFC000  }
0x2b: {  	[hbm4b:s30+s2] =	stream.linear.scatter [tilespmem:s13], [sflag:$0xC], $0x4000, $0x38;
	[tilespmem:$0x1A400] =	vst v63  }
.LBB2_29:
0x2c: {  	s29 =	sadd.s32 $0xC00, s29  }
0x2d: {  	p2 =	sne.s32 s29, $0x9000  }
.Ltmp3:
0x2e: {  	_ = 	snop;
	(pc) =	sbr.rel @!p2 .LBB2_30-.Ltmp3, $2  }
0x2f: {  	_ =	sdelay $0x2  }
0x30: {  	s28 =	sadd.s32 $0x6, s28;
	s26 =	sadd.s32 $0x3000, s26  }
.LBB2_2:
0x31: {  	s30 =	sadd.s32 $0xFFFFFFFE, s28;
	p2 =	seq.s32 s29, $0x0  }
0x32: {  	p3 =	sgt.u32 @!p2 s30, $0x856;
	p4 =	sgt.u32 s30, $0x850  }
.Ltmp4:
0x33: {  	p3 =	por p3, p2;
	(pc) =	sbr.rel @p4 .LBB2_4-.Ltmp4, $4  }
0x34: {  	s31 =	simm.s32 @!p3 $0xB  }
0x35: {  	_ =	swait.ge @!p3 [sflag:s31], $0x4000  }
0x36: {  	[sflag:s31] =	ssyncset.done @!p3 $0x0  }
0x37: {  	[sflag:s31] =	ssyncadd.s32 @!p3 $0xFFFFC000  }
.Ltmp5:
0x38: {  	(pc) =	sbr.rel .LBB2_5-.Ltmp5, $4  }
0x39: {  	_ = 	snop  }
0x3a: {  	s30 =	sshra.s32 s29, $0x2  }
0x3b: {  	s30 =	sadd.s32 $0x200, s30  }
0x3c: {  	[tilespmem:s10], [sflag:$0x5] =	stream.indirect.gather [hbm4b:s3+s9], $0x80, s30, s9, $0xb8;
	[tilespmem:$0x1A400] =	vst v63  }
.LBB2_4:
0x3d: {  	p4 =	sgt.u32 s30, $0x854  }
.Ltmp6:
0x3e: {  	_ = 	snop;
	(pc) =	sbr.rel @p4 .LBB2_6-.Ltmp6, $2  }
0x3f: {  	_ =	sdelay $0x2  }
0x40: {  	p3 =	por $0x0, $0x0  }
.LBB2_5:
0x41: {  	_ =	swait.ge [sflag:s11], $0x4000  }
0x42: {  	[sflag:s11] =	ssyncset.done $0x0  }
0x43: {  	s30 =	sadd.s32 $0xFFFFE800, s26;
	p3 =	por $0x1, $0x1;
	[sflag:s11] =	ssyncadd.s32 $0xFFFFC000  }
0x44: {  	[hbm4b:s30+s2] =	stream.linear.scatter [tilespmem:s12], [sflag:$0x7], $0x4000, $0x38;
	[tilespmem:$0x1A400] =	vst v63  }
.LBB2_6:
0x45: {  	s30 =	sadd.s32 $0xFFFFFFFF, s28  }
0x46: {  	p4 =	sgt.u32 @!p2 s30, $0x856  }
0x47: {  	p2 =	por p4, p2;
	p4 =	sgt.u32 s30, $0x850  }
.Ltmp7:
0x48: {  	_ = 	snop;
	(pc) =	sbr.rel @p4 .LBB2_8-.Ltmp7, $4  }
0x49: {  	s31 =	simm.s32 @!p2 $0xC  }
0x4a: {  	_ =	swait.ge @!p2 [sflag:s31], $0x4000  }
0x4b: {  	[sflag:s31] =	ssyncset.done @!p2 $0x0  }
0x4c: {  	[sflag:s31] =	ssyncadd.s32 @!p2 $0xFFFFC000  }
.Ltmp8:
0x4d: {  	(pc) =	sbr.rel .LBB2_9-.Ltmp8, $4  }
0x4e: {  	_ = 	snop  }
0x4f: {  	s30 =	sshra.s32 s29, $0x2  }
0x50: {  	s30 =	sadd.s32 $0x280, s30  }
0x51: {  	[tilespmem:s13], [sflag:$0x6] =	stream.indirect.gather [hbm4b:s3+s9], $0x80, s30, s9, $0xb8;
	[tilespmem:$0x1A400] =	vst v63  }
.LBB2_8:
0x52: {  	p2 =	sgt.u32 s30, $0x854  }
.Ltmp9:
0x53: {  	_ = 	snop;
	(pc) =	sbr.rel @p2 .LBB2_10-.Ltmp9, $1  }
0x54: {  	_ =	sdelay $0x3  }
.LBB2_9:
0x55: {  	_ =	swait.ge [sflag:s14], $0x4000  }
0x56: {  	[sflag:s14] =	ssyncset.done $0x0  }
0x57: {  	s30 =	sadd.s32 $0xFFFFF000, s26;
	[sflag:s14] =	ssyncadd.s32 $0xFFFFC000  }
0x58: {  	[hbm4b:s30+s2] =	stream.linear.scatter [tilespmem:s15], [sflag:$0x8], $0x4000, $0x38;
	[tilespmem:$0x1A400] =	vst v63  }
.LBB2_10:
0x59: {  	p2 =	seq.s32 s29, $0x8400  }
0x5a: {  	p4 =	sgt.u32 @!p2 s28, $0x850  }
0x5b: {  	p4 =	por p2, p4  }
.Ltmp10:
0x5c: {  	_ = 	snop;
	(pc) =	sbr.rel @p4 .LBB2_12-.Ltmp10, $4  }
0x5d: {  	s30 =	simm.s32 @p3 $0x7  }
0x5e: {  	_ =	swait.ge @p3 [sflag:s30], $0x4000  }
0x5f: {  	[sflag:s30] =	ssyncset.done @p3 $0x0  }
0x60: {  	[sflag:s30] =	ssyncadd.s32 @p3 $0xFFFFC000  }
0x61: {  	s30 =	sshra.s32 s29, $0x2  }
0x62: {  	s30 =	sadd.s32 $0x300, s30  }
0x63: {  	[tilespmem:s12], [sflag:$0x1] =	stream.indirect.gather [hbm4b:s3+s9], $0x80, s30, s9, $0xb8;
	[tilespmem:$0x1A400] =	vst v63  }
.LBB2_13:
0x64: {  	_ =	swait.ge [sflag:s16], $0x4000  }
0x65: {  	[sflag:s16] =	ssyncset.done $0x0  }
0x66: {  	s30 =	sadd.s32 $0xFFFFF800, s26;
	[sflag:s16] =	ssyncadd.s32 $0xFFFFC000  }
0x67: {  	[hbm4b:s30+s2] =	stream.linear.scatter [tilespmem:s17], [sflag:$0x9], $0x4000, $0x38;
	[tilespmem:$0x1A400] =	vst v63  }
.LBB2_14:
0x68: {  	s30 =	sadd.s32 $0x1, s28  }
0x69: {  	p3 =	sgt.u32 s30, $0x856  }
.Ltmp11:
0x6a: {  	_ = 	snop;
	(pc) =	sbr.rel @p3 .LBB2_19-.Ltmp11, $1  }
0x6b: {  	_ =	sdelay $0x3  }
0x6c: {  	p3 =	sgt.u32 @!p2 s30, $0x850  }
0x6d: {  	p3 =	por p2, p3  }
.Ltmp12:
0x6e: {  	_ = 	snop;
	(pc) =	sbr.rel @p3 .LBB2_17-.Ltmp12, $4  }
0x6f: {  	_ = 	snop  }
0x70: {  	_ =	swait.ge [sflag:s18], $0x4000  }
0x71: {  	[sflag:s18] =	ssyncset.done $0x0  }
0x72: {  	[sflag:s18] =	ssyncadd.s32 $0xFFFFC000  }
0x73: {  	s30 =	sshra.s32 s29, $0x2  }
0x74: {  	s30 =	sadd.s32 $0x380, s30  }
0x75: {  	[tilespmem:s15], [sflag:$0x2] =	stream.indirect.gather [hbm4b:s3+s9], $0x80, s30, s9, $0xb8;
	[tilespmem:$0x1A400] =	vst v63  }
.LBB2_18:
0x76: {  	_ =	swait.ge [sflag:s19], $0x4000  }
0x77: {  	[sflag:s19] =	ssyncset.done $0x0  }
0x78: {  	[sflag:s19] =	ssyncadd.s32 $0xFFFFC000  }
0x79: {  	[hbm4b:s26+s2] =	stream.linear.scatter [tilespmem:s20], [sflag:$0xA], $0x4000, $0x38;
	[tilespmem:$0x1A400] =	vst v63  }
.LBB2_19:
0x7a: {  	s30 =	sadd.s32 $0x2, s28  }
0x7b: {  	p3 =	sgt.u32 s30, $0x856  }
.Ltmp13:
0x7c: {  	_ = 	snop;
	(pc) =	sbr.rel @p3 .LBB2_24-.Ltmp13, $1  }
0x7d: {  	_ =	sdelay $0x3  }
0x7e: {  	p3 =	sgt.u32 @!p2 s30, $0x850  }
0x7f: {  	p3 =	por p2, p3  }
.Ltmp14:
0x80: {  	_ = 	snop;
	(pc) =	sbr.rel @p3 .LBB2_22-.Ltmp14, $4  }
0x81: {  	_ = 	snop  }
0x82: {  	_ =	swait.ge [sflag:s21], $0x4000  }
0x83: {  	[sflag:s21] =	ssyncset.done $0x0  }
0x84: {  	[sflag:s21] =	ssyncadd.s32 $0xFFFFC000  }
0x85: {  	s30 =	sshra.s32 s29, $0x2  }
0x86: {  	s30 =	sadd.s32 $0x400, s30  }
0x87: {  	[tilespmem:s17], [sflag:$0x3] =	stream.indirect.gather [hbm4b:s3+s9], $0x80, s30, s9, $0xb8;
	[tilespmem:$0x1A400] =	vst v63  }
.LBB2_23:
0x88: {  	_ =	swait.ge [sflag:s22], $0x4000  }
0x89: {  	[sflag:s22] =	ssyncset.done $0x0  }
0x8a: {  	s30 =	sadd.s32 $0x800, s26;
	[sflag:s22] =	ssyncadd.s32 $0xFFFFC000  }
0x8b: {  	[hbm4b:s30+s2] =	stream.linear.scatter [tilespmem:s10], [sflag:$0xB], $0x4000, $0x38;
	[tilespmem:$0x1A400] =	vst v63  }
.LBB2_24:
0x8c: {  	s30 =	sadd.s32 $0x3, s28  }
0x8d: {  	p3 =	sgt.u32 s30, $0x856  }
.Ltmp15:
0x8e: {  	_ = 	snop;
	(pc) =	sbr.rel @p3 .LBB2_29-.Ltmp15, $1  }
0x8f: {  	_ =	sdelay $0x3  }
0x90: {  	p3 =	sgt.u32 @!p2 s30, $0x850  }
0x91: {  	p2 =	por p2, p3  }
.Ltmp16:
0x92: {  	_ = 	snop;
	(pc) =	sbr.rel @!p2 .LBB2_26-.Ltmp16, $4  }
0x93: {  	_ = 	snop  }
0x94: {  	_ =	swait.ge [sflag:s23], $0x4000  }
0x95: {  	[sflag:s23] =	ssyncset.done $0x0  }
0x96: {  	[sflag:s23] =	ssyncadd.s32 $0xFFFFC000  }
0x97: {  	p2 =	sgt.u32 s30, $0x854  }
.Ltmp17:
0x98: {  	_ = 	snop;
	(pc) =	sbr.rel @p2 .LBB2_29-.Ltmp17, $4  }
.Ltmp18:
0x99: {  	_ = 	snop;
	(pc) =	sbr.rel @!p2 .LBB2_28-.Ltmp18, $4  }
0x9a: {  	_ = 	snop  }
0x9b: {  	_ = 	snop  }
0x9c: {  	_ = 	snop  }
0x9d: {  	_ = 	snop  }
.LBB2_12:
0x9e: {  	p3 =	sgt.u32 s28, $0x854  }
.Ltmp19:
0x9f: {  	_ = 	snop;
	(pc) =	sbr.rel @p3 .LBB2_14-.Ltmp19, $4  }
.Ltmp20:
0xa0: {  	_ = 	snop;
	(pc) =	sbr.rel @!p3 .LBB2_13-.Ltmp20, $4  }
0xa1: {  	_ = 	snop  }
0xa2: {  	_ = 	snop  }
0xa3: {  	_ = 	snop  }
0xa4: {  	_ = 	snop  }
.LBB2_17:
0xa5: {  	p3 =	sgt.u32 s30, $0x854  }
.Ltmp21:
0xa6: {  	_ = 	snop;
	(pc) =	sbr.rel @p3 .LBB2_19-.Ltmp21, $4  }
.Ltmp22:
0xa7: {  	_ = 	snop;
	(pc) =	sbr.rel @!p3 .LBB2_18-.Ltmp22, $4  }
0xa8: {  	_ = 	snop  }
0xa9: {  	_ = 	snop  }
0xaa: {  	_ = 	snop  }
0xab: {  	_ = 	snop  }
.LBB2_22:
0xac: {  	p3 =	sgt.u32 s30, $0x854  }
.Ltmp23:
0xad: {  	_ = 	snop;
	(pc) =	sbr.rel @p3 .LBB2_24-.Ltmp23, $4  }
.Ltmp24:
0xae: {  	_ = 	snop;
	(pc) =	sbr.rel @!p3 .LBB2_23-.Ltmp24, $4  }
0xaf: {  	_ = 	snop  }
0xb0: {  	_ = 	snop  }
0xb1: {  	_ = 	snop  }
0xb2: {  	_ = 	snop  }
.LBB2_31:
0xb3: {  	_ =	sfence.sel $0x180000  }
0xb4: {  	[bflag:$0x0] =	sbarrier.arrive $0xFFFF  }
0xb5: {  	p0 =	sne.s32 s1, $0x0;
	_ =	strace $0x90000047  }
0xb6: {  	s0 =	sadd.s32 @!p0 $0x100000, s0;
	[bflag:$0x2] =	sbarrier.arrive $0xFFFF  }
0xb7: {  	[sflag:s0] =	ssyncadd.tile.s32 @!p0 $0x1;
	_ =	shalt  }
.Lfunc_end2:
_tile_overlayer_lowered:
.L_overlay_start_2:
0xb8: {  	(tag) =	ssettag $0x2  }
0xb9: {  	s0 =	rddreg [dreg:$0x0];
	s2 =	stileid.u32  }
0xba: {  	s1 =	rddreg [dreg:$0x1];
	p0 =	sne.s32 s2, $0x0  }
0xbb: {  	s3 =	rddreg [dreg:$0x2];
	[bflag:$0x3] =	sbarrier.arrive $0xFFFF;
	s2 =	simm.s32 @!p0 $0x1C0D  }
0xbc: {  	[timem:s3], [sflag:s2] =	dma.local @!p0 [hbm:s0], s1  }
0xbd: {  	s0 =	simm.s32 @!p0 $0xD  }
0xbe: {  	_ =	swait.ge @!p0 [sflag:s0], s1  }
0xbf: {  	s1 =	ssub.s32 @!p0 $0x0, s1;
	[sflag:s0] =	ssyncset.done @!p0 $0x0  }
0xc0: {  	[sflag:s0] =	ssyncadd.s32 @!p0 s1  }
0xc1: {  	[bflag:$0x3] =	sbarrier.arrive $0xFFFF  }
0xc2: {  	_ =	shalt  }

</sc_bundles>
